<compile_context>
chip_gen: v7x
topology: tpu7x:2x2x1
jax: 0.10.2.dev20260603
libtpu: 0.0.44.dev20260713+nightly
codegen_flags: <defaults>
</compile_context>

<pallas_src>
import functools

import jax
import jax.numpy as jnp
from jax import lax
from jax.experimental import pallas as pl
from jax.experimental.pallas import tpu as pltpu
from jax.experimental.pallas import tpu_sc as plsc

L = 16
NW = 32
CH = 3200
GROUPS = CH // L
N_BINS = 15
C15 = 1.0 / 15.0
KPACK = 4096.0


def _ece_body(nchunks, lt_hbm, lab_hbm, out_hbm,
              pa, lba, pb, lbb, ca_v, cf_v, sem0, sem1):
    cid = lax.axis_index("c")
    sid = lax.axis_index("s")
    wid = sid * 2 + cid

    zeros = jnp.zeros((L,), jnp.float32)
    for i in range(N_BINS):
        ca_v[pl.ds(i * L, L)] = zeros
        cf_v[pl.ds(i * L, L)] = zeros

    lane = lax.broadcasted_iota(jnp.int32, (L,), 0)
    row0 = jnp.zeros((L,), jnp.int32)
    row1 = jnp.full((L,), 1, jnp.int32)
    row2 = jnp.full((L,), 2, jnp.int32)
    bufs = ((pa, lba), (pb, lbb))
    sems = (sem0, sem1)

    def _copies(j, b):
        c = wid + NW * j
        off = pl.multiple_of(c * CH, 128)
        pv, lbv = bufs[b]
        return c, [
            pltpu.make_async_copy(
                lt_hbm.at[:, pl.ds(off, CH)], pv, sems[b]),
            pltpu.make_async_copy(lab_hbm.at[pl.ds(off, CH)], lbv, sems[b]),
        ]

    def start(j, b):
        c, copies = _copies(j, b)

        @pl.when(c < nchunks)
        def _():
            for cp in copies:
                cp.start()

    def wait(j, b):
        c, copies = _copies(j, b)

        @pl.when(c < nchunks)
        def _():
            for cp in copies:
                cp.wait()

    def compute(j, b):
        c = wid + NW * j
        pv, lb_v = bufs[b]

        @pl.when(c < nchunks)
        def _():
            @plsc.parallel_loop(0, CH, step=L, unroll=4)
            def grp(base):
                l0 = pv[0, pl.ds(base, L)]
                l1 = pv[1, pl.ds(base, L)]
                l2 = pv[2, pl.ds(base, L)]
                lb = lb_v[pl.ds(base, L)]

                m01 = jnp.maximum(l0, l1)
                lmax = jnp.maximum(m01, l2)
                s = (jnp.exp(l0 - lmax) + jnp.exp(l1 - lmax)
                     + jnp.exp(l2 - lmax))
                conf = 1.0 / s
                pred = jnp.where(l1 > l0, 1, 0).astype(jnp.int32)
                pred = jnp.where(l2 > m01, 2, pred)
                accf = jnp.where(pred == lb, 1.0, 0.0).astype(jnp.float32)

                t = conf * 15.0
                b0 = t.astype(jnp.int32)
                bb = b0 - jnp.where(t == b0.astype(jnp.float32), 1, 0)

                slot = bb * L + lane
                plsc.addupdate_scatter(ca_v, [slot], accf + KPACK)
                plsc.addupdate_scatter(cf_v, [slot], conf)

    niter = (nchunks + NW - 1) // NW
    niter2 = (niter + 2) // 2

    start(0, 0)
    start(1, 1)

    def outer(j2, _):
        for b in (0, 1):
            j = 2 * j2 + b
            wait(j, b)
            compute(j, b)
            start(j + 2, b)
        return 0

    lax.fori_loop(0, niter2, outer, 0)
    pltpu.sync_copy(ca_v, out_hbm.at[2 * wid])
    pltpu.sync_copy(cf_v, out_hbm.at[2 * wid + 1])


def kernel(logits, labels):
    n = logits.shape[0]
    assert n % CH == 0
    nchunks = n // CH

    lt = logits.T

    mesh = plsc.VectorSubcoreMesh(
        core_axis_name="c", subcore_axis_name="s", num_cores=2, num_subcores=16
    )
    run = pl.kernel(
        functools.partial(_ece_body, nchunks),
        out_type=jax.ShapeDtypeStruct((NW * 2, N_BINS * L), jnp.float32),
        mesh=mesh,
        compiler_params=pltpu.CompilerParams(needs_layout_passes=False),
        scratch_types=[
            pltpu.VMEM((3, CH), jnp.float32),
            pltpu.VMEM((CH,), jnp.int32),
            pltpu.VMEM((3, CH), jnp.float32),
            pltpu.VMEM((CH,), jnp.int32),
            pltpu.VMEM((N_BINS * L,), jnp.float32),
            pltpu.VMEM((N_BINS * L,), jnp.float32),
            pltpu.SemaphoreType.DMA,
            pltpu.SemaphoreType.DMA,
        ],
    )
    assert ((nchunks + NW - 1) // NW) * (CH // L) * (KPACK + 1) < 2 ** 24

    parts = run(lt, labels)

    r = parts.reshape(NW, 2, N_BINS, L)
    ca_p = r[:, 0]
    cnt_p = jnp.floor(ca_p / KPACK)
    cnt = cnt_p.sum(axis=(0, 2))
    sacc = (ca_p - cnt_p * KPACK).sum(axis=(0, 2))
    sconf = r[:, 1].sum(axis=(0, 2))
    n_total = jnp.asarray(n, dtype=jnp.float32)
    prop = cnt / n_total
    safe = jnp.maximum(cnt, 1.0)
    contrib = jnp.abs(sconf / safe - sacc / safe) * prop
    return jnp.sum(jnp.where(prop > 0.0, contrib, 0.0)).astype(jnp.float32)

# --- scband reference (transcript-rebuilt; emitter-appended) ---
"""Pipeline reference for scband-eceloss-71949292142825 (READ-ONLY COPY).

The authoritative reference and input builder live on the scoring server;
editing this copy changes nothing except your own understanding.
"""

import jax, jax.numpy as jnp
import numpy as np

N = 2000000
NUM_CLASSES = 3
N_BINS = 15


def setup_inputs(seed: int = 0) -> dict:
    key = jax.random.key(seed)
    k1, k2 = jax.random.split(key)
    logits = jax.random.normal(k1, (N, NUM_CLASSES), dtype=jnp.float32)
    labels = jax.random.randint(k2, (N,), 0, NUM_CLASSES, dtype=jnp.int32)
    return {"logits": logits, "labels": labels}


def reference(logits, labels):
    softmaxes = jax.nn.softmax(logits, axis=1)
    confidences = jnp.max(softmaxes, axis=1)
    predictions = jnp.argmax(softmaxes, axis=1)
    accuracies = (predictions == labels).astype(jnp.float32)

    bin_boundaries = jnp.linspace(0.0, 1.0, N_BINS + 1)
    bin_lowers = bin_boundaries[:-1]
    bin_uppers = bin_boundaries[1:]

    ece = jnp.zeros((), dtype=jnp.float32)
    n_total = jnp.asarray(confidences.shape[0], dtype=jnp.float32)
    for i in range(N_BINS):
        in_bin = (confidences > bin_lowers[i]) & (confidences <= bin_uppers[i])
        in_bin_f = in_bin.astype(jnp.float32)
        cnt = jnp.sum(in_bin_f)
        prop_in_bin = cnt / n_total
        safe_cnt = jnp.maximum(cnt, 1.0)
        accuracy_in_bin = jnp.sum(jnp.where(in_bin, accuracies, 0.0)) / safe_cnt
        avg_confidence_in_bin = jnp.sum(jnp.where(in_bin, confidences, 0.0)) / safe_cnt
        contrib = jnp.abs(avg_confidence_in_bin - accuracy_in_bin) * prop_in_bin
        ece = ece + jnp.where(prop_in_bin > 0.0, contrib, 0.0)
    return ece

if __name__ == "__main__":
    import jax
    _d = setup_inputs()
    print(jax.jit(kernel)(*tuple(_d.values())))

</pallas_src>

<mosaic_0001>
#map = affine_map<(d0, d1) -> (0, 0)>
#map1 = affine_map<(d0, d1) -> (0)>
module attributes {stable_mosaic.version = 14 : i64} {
  func.func @_ece_body(%arg0: i32, %arg1: i32, %arg2: memref<3x2000000xf32, #tpu.memory_space<hbm>>, %arg3: memref<2000000xi32, #tpu.memory_space<hbm>>, %arg4: memref<64x240xf32, #tpu.memory_space<hbm>>, %arg5: memref<3x3200xf32, #tpu.memory_space<vmem>>, %arg6: memref<3200xi32, #tpu.memory_space<vmem>>, %arg7: memref<3x3200xf32, #tpu.memory_space<vmem>>, %arg8: memref<3200xi32, #tpu.memory_space<vmem>>, %arg9: memref<240xf32, #tpu.memory_space<vmem>>, %arg10: memref<240xf32, #tpu.memory_space<vmem>>, %arg11: memref<!tpu.dma_semaphore, #tpu.memory_space<semaphore_mem>>, %arg12: memref<!tpu.dma_semaphore, #tpu.memory_space<semaphore_mem>>) attributes {dimension_semantics = [#tpu.dimension_semantics<core_parallel>, #tpu.dimension_semantics<subcore_parallel>], iteration_bounds = array<i64: 2, 16>, scalar_prefetch = 0 : i64, scratch_operands = 8 : i64, tpu.core_type = #tpu.core_type<sc_vector_subcore>, window_params = [{transform_indices = #map}, {transform_indices = #map1}, {transform_indices = #map}]} {
    %mul3A = arith.constant 2 : i32
    %mul3A_0 = arith.muli %arg1, %mul3A : i32
    %add3A = arith.addi %mul3A_0, %arg0 : i32
    %broadcast_in_dim3A = arith.constant 0.000000e+00 : f32
    %broadcast_in_dim3A_1 = vector.broadcast %broadcast_in_dim3A : f32 to vector<16xf32>
    %swap3A = arith.constant 0 : index
    %swap3A_2 = tpu.vector_load %arg9[%swap3A] {strides = array<i32>} : memref<240xf32, #tpu.memory_space<vmem>>, vector<16xf32>,
    tpu.vector_store %arg9[%swap3A], %broadcast_in_dim3A_1 {strides = array<i32>} : memref<240xf32, #tpu.memory_space<vmem>>, vector<16xf32>,
    %swap3A_3 = arith.constant 0 : index
    %swap3A_4 = tpu.vector_load %arg10[%swap3A_3] {strides = array<i32>} : memref<240xf32, #tpu.memory_space<vmem>>, vector<16xf32>,
    tpu.vector_store %arg10[%swap3A_3], %broadcast_in_dim3A_1 {strides = array<i32>} : memref<240xf32, #tpu.memory_space<vmem>>, vector<16xf32>,
    %swap3A_5 = arith.constant 16 : index
    %swap3A_6 = tpu.vector_load %arg9[%swap3A_5] {strides = array<i32>} : memref<240xf32, #tpu.memory_space<vmem>>, vector<16xf32>,
    tpu.vector_store %arg9[%swap3A_5], %broadcast_in_dim3A_1 {strides = array<i32>} : memref<240xf32, #tpu.memory_space<vmem>>, vector<16xf32>,
    %swap3A_7 = arith.constant 16 : index
    %swap3A_8 = tpu.vector_load %arg10[%swap3A_7] {strides = array<i32>} : memref<240xf32, #tpu.memory_space<vmem>>, vector<16xf32>,
    tpu.vector_store %arg10[%swap3A_7], %broadcast_in_dim3A_1 {strides = array<i32>} : memref<240xf32, #tpu.memory_space<vmem>>, vector<16xf32>,
    %swap3A_9 = arith.constant 32 : index
    %swap3A_10 = tpu.vector_load %arg9[%swap3A_9] {strides = array<i32>} : memref<240xf32, #tpu.memory_space<vmem>>, vector<16xf32>,
    tpu.vector_store %arg9[%swap3A_9], %broadcast_in_dim3A_1 {strides = array<i32>} : memref<240xf32, #tpu.memory_space<vmem>>, vector<16xf32>,
    %swap3A_11 = arith.constant 32 : index
    %swap3A_12 = tpu.vector_load %arg10[%swap3A_11] {strides = array<i32>} : memref<240xf32, #tpu.memory_space<vmem>>, vector<16xf32>,
    tpu.vector_store %arg10[%swap3A_11], %broadcast_in_dim3A_1 {strides = array<i32>} : memref<240xf32, #tpu.memory_space<vmem>>, vector<16xf32>,
    %swap3A_13 = arith.constant 48 : index
    %swap3A_14 = tpu.vector_load %arg9[%swap3A_13] {strides = array<i32>} : memref<240xf32, #tpu.memory_space<vmem>>, vector<16xf32>,
    tpu.vector_store %arg9[%swap3A_13], %broadcast_in_dim3A_1 {strides = array<i32>} : memref<240xf32, #tpu.memory_space<vmem>>, vector<16xf32>,
    %swap3A_15 = arith.constant 48 : index
    %swap3A_16 = tpu.vector_load %arg10[%swap3A_15] {strides = array<i32>} : memref<240xf32, #tpu.memory_space<vmem>>, vector<16xf32>,
    tpu.vector_store %arg10[%swap3A_15], %broadcast_in_dim3A_1 {strides = array<i32>} : memref<240xf32, #tpu.memory_space<vmem>>, vector<16xf32>,
    %swap3A_17 = arith.constant 64 : index
    %swap3A_18 = tpu.vector_load %arg9[%swap3A_17] {strides = array<i32>} : memref<240xf32, #tpu.memory_space<vmem>>, vector<16xf32>,
    tpu.vector_store %arg9[%swap3A_17], %broadcast_in_dim3A_1 {strides = array<i32>} : memref<240xf32, #tpu.memory_space<vmem>>, vector<16xf32>,
    %swap3A_19 = arith.constant 64 : index
    %swap3A_20 = tpu.vector_load %arg10[%swap3A_19] {strides = array<i32>} : memref<240xf32, #tpu.memory_space<vmem>>, vector<16xf32>,
    tpu.vector_store %arg10[%swap3A_19], %broadcast_in_dim3A_1 {strides = array<i32>} : memref<240xf32, #tpu.memory_space<vmem>>, vector<16xf32>,
    %swap3A_21 = arith.constant 80 : index
    %swap3A_22 = tpu.vector_load %arg9[%swap3A_21] {strides = array<i32>} : memref<240xf32, #tpu.memory_space<vmem>>, vector<16xf32>,
    tpu.vector_store %arg9[%swap3A_21], %broadcast_in_dim3A_1 {strides = array<i32>} : memref<240xf32, #tpu.memory_space<vmem>>, vector<16xf32>,
    %swap3A_23 = arith.constant 80 : index
    %swap3A_24 = tpu.vector_load %arg10[%swap3A_23] {strides = array<i32>} : memref<240xf32, #tpu.memory_space<vmem>>, vector<16xf32>,
    tpu.vector_store %arg10[%swap3A_23], %broadcast_in_dim3A_1 {strides = array<i32>} : memref<240xf32, #tpu.memory_space<vmem>>, vector<16xf32>,
    %swap3A_25 = arith.constant 96 : index
    %swap3A_26 = tpu.vector_load %arg9[%swap3A_25] {strides = array<i32>} : memref<240xf32, #tpu.memory_space<vmem>>, vector<16xf32>,
    tpu.vector_store %arg9[%swap3A_25], %broadcast_in_dim3A_1 {strides = array<i32>} : memref<240xf32, #tpu.memory_space<vmem>>, vector<16xf32>,
    %swap3A_27 = arith.constant 96 : index
    %swap3A_28 = tpu.vector_load %arg10[%swap3A_27] {strides = array<i32>} : memref<240xf32, #tpu.memory_space<vmem>>, vector<16xf32>,
    tpu.vector_store %arg10[%swap3A_27], %broadcast_in_dim3A_1 {strides = array<i32>} : memref<240xf32, #tpu.memory_space<vmem>>, vector<16xf32>,
    %swap3A_29 = arith.constant 112 : index
    %swap3A_30 = tpu.vector_load %arg9[%swap3A_29] {strides = array<i32>} : memref<240xf32, #tpu.memory_space<vmem>>, vector<16xf32>,
    tpu.vector_store %arg9[%swap3A_29], %broadcast_in_dim3A_1 {strides = array<i32>} : memref<240xf32, #tpu.memory_space<vmem>>, vector<16xf32>,
    %swap3A_31 = arith.constant 112 : index
    %swap3A_32 = tpu.vector_load %arg10[%swap3A_31] {strides = array<i32>} : memref<240xf32, #tpu.memory_space<vmem>>, vector<16xf32>,
    tpu.vector_store %arg10[%swap3A_31], %broadcast_in_dim3A_1 {strides = array<i32>} : memref<240xf32, #tpu.memory_space<vmem>>, vector<16xf32>,
    %swap3A_33 = arith.constant 128 : index
    %swap3A_34 = tpu.vector_load %arg9[%swap3A_33] {strides = array<i32>} : memref<240xf32, #tpu.memory_space<vmem>>, vector<16xf32>,
    tpu.vector_store %arg9[%swap3A_33], %broadcast_in_dim3A_1 {strides = array<i32>} : memref<240xf32, #tpu.memory_space<vmem>>, vector<16xf32>,
    %swap3A_35 = arith.constant 128 : index
    %swap3A_36 = tpu.vector_load %arg10[%swap3A_35] {strides = array<i32>} : memref<240xf32, #tpu.memory_space<vmem>>, vector<16xf32>,
    tpu.vector_store %arg10[%swap3A_35], %broadcast_in_dim3A_1 {strides = array<i32>} : memref<240xf32, #tpu.memory_space<vmem>>, vector<16xf32>,
    %swap3A_37 = arith.constant 144 : index
    %swap3A_38 = tpu.vector_load %arg9[%swap3A_37] {strides = array<i32>} : memref<240xf32, #tpu.memory_space<vmem>>, vector<16xf32>,
    tpu.vector_store %arg9[%swap3A_37], %broadcast_in_dim3A_1 {strides = array<i32>} : memref<240xf32, #tpu.memory_space<vmem>>, vector<16xf32>,
    %swap3A_39 = arith.constant 144 : index
    %swap3A_40 = tpu.vector_load %arg10[%swap3A_39] {strides = array<i32>} : memref<240xf32, #tpu.memory_space<vmem>>, vector<16xf32>,
    tpu.vector_store %arg10[%swap3A_39], %broadcast_in_dim3A_1 {strides = array<i32>} : memref<240xf32, #tpu.memory_space<vmem>>, vector<16xf32>,
    %swap3A_41 = arith.constant 160 : index
    %swap3A_42 = tpu.vector_load %arg9[%swap3A_41] {strides = array<i32>} : memref<240xf32, #tpu.memory_space<vmem>>, vector<16xf32>,
    tpu.vector_store %arg9[%swap3A_41], %broadcast_in_dim3A_1 {strides = array<i32>} : memref<240xf32, #tpu.memory_space<vmem>>, vector<16xf32>,
    %swap3A_43 = arith.constant 160 : index
    %swap3A_44 = tpu.vector_load %arg10[%swap3A_43] {strides = array<i32>} : memref<240xf32, #tpu.memory_space<vmem>>, vector<16xf32>,
    tpu.vector_store %arg10[%swap3A_43], %broadcast_in_dim3A_1 {strides = array<i32>} : memref<240xf32, #tpu.memory_space<vmem>>, vector<16xf32>,
    %swap3A_45 = arith.constant 176 : index
    %swap3A_46 = tpu.vector_load %arg9[%swap3A_45] {strides = array<i32>} : memref<240xf32, #tpu.memory_space<vmem>>, vector<16xf32>,
    tpu.vector_store %arg9[%swap3A_45], %broadcast_in_dim3A_1 {strides = array<i32>} : memref<240xf32, #tpu.memory_space<vmem>>, vector<16xf32>,
    %swap3A_47 = arith.constant 176 : index
    %swap3A_48 = tpu.vector_load %arg10[%swap3A_47] {strides = array<i32>} : memref<240xf32, #tpu.memory_space<vmem>>, vector<16xf32>,
    tpu.vector_store %arg10[%swap3A_47], %broadcast_in_dim3A_1 {strides = array<i32>} : memref<240xf32, #tpu.memory_space<vmem>>, vector<16xf32>,
    %swap3A_49 = arith.constant 192 : index
    %swap3A_50 = tpu.vector_load %arg9[%swap3A_49] {strides = array<i32>} : memref<240xf32, #tpu.memory_space<vmem>>, vector<16xf32>,
    tpu.vector_store %arg9[%swap3A_49], %broadcast_in_dim3A_1 {strides = array<i32>} : memref<240xf32, #tpu.memory_space<vmem>>, vector<16xf32>,
    %swap3A_51 = arith.constant 192 : index
    %swap3A_52 = tpu.vector_load %arg10[%swap3A_51] {strides = array<i32>} : memref<240xf32, #tpu.memory_space<vmem>>, vector<16xf32>,
    tpu.vector_store %arg10[%swap3A_51], %broadcast_in_dim3A_1 {strides = array<i32>} : memref<240xf32, #tpu.memory_space<vmem>>, vector<16xf32>,
    %swap3A_53 = arith.constant 208 : index
    %swap3A_54 = tpu.vector_load %arg9[%swap3A_53] {strides = array<i32>} : memref<240xf32, #tpu.memory_space<vmem>>, vector<16xf32>,
    tpu.vector_store %arg9[%swap3A_53], %broadcast_in_dim3A_1 {strides = array<i32>} : memref<240xf32, #tpu.memory_space<vmem>>, vector<16xf32>,
    %swap3A_55 = arith.constant 208 : index
    %swap3A_56 = tpu.vector_load %arg10[%swap3A_55] {strides = array<i32>} : memref<240xf32, #tpu.memory_space<vmem>>, vector<16xf32>,
    tpu.vector_store %arg10[%swap3A_55], %broadcast_in_dim3A_1 {strides = array<i32>} : memref<240xf32, #tpu.memory_space<vmem>>, vector<16xf32>,
    %swap3A_57 = arith.constant 224 : index
    %swap3A_58 = tpu.vector_load %arg9[%swap3A_57] {strides = array<i32>} : memref<240xf32, #tpu.memory_space<vmem>>, vector<16xf32>,
    tpu.vector_store %arg9[%swap3A_57], %broadcast_in_dim3A_1 {strides = array<i32>} : memref<240xf32, #tpu.memory_space<vmem>>, vector<16xf32>,
    %swap3A_59 = arith.constant 224 : index
    %swap3A_60 = tpu.vector_load %arg10[%swap3A_59] {strides = array<i32>} : memref<240xf32, #tpu.memory_space<vmem>>, vector<16xf32>,
    tpu.vector_store %arg10[%swap3A_59], %broadcast_in_dim3A_1 {strides = array<i32>} : memref<240xf32, #tpu.memory_space<vmem>>, vector<16xf32>,
    %iota3A = tpu.iota {dimensions = array<i32: 0>} : vector<16xi32>
    %broadcast_in_dim3A_61 = arith.constant 0 : i32
    %broadcast_in_dim3A_62 = vector.broadcast %broadcast_in_dim3A_61 : i32 to vector<16xi32>
    %broadcast_in_dim3A_63 = arith.constant 1 : i32
    %broadcast_in_dim3A_64 = vector.broadcast %broadcast_in_dim3A_63 : i32 to vector<16xi32>
    %broadcast_in_dim3A_65 = arith.constant 2 : i32
    %broadcast_in_dim3A_66 = vector.broadcast %broadcast_in_dim3A_65 : i32 to vector<16xi32>
    %add3A_67 = arith.constant 0 : i32
    %add3A_68 = arith.addi %add3A, %add3A_67 : i32
    %mul3A_69 = arith.constant 3200 : i32
    %mul3A_70 = arith.muli %add3A_68, %mul3A_69 : i32
    %multiple_of3A = tpu.assume_multiple %mul3A_70, 128 : i32
    %lt3A = arith.constant 625 : i32
    %lt3A_71 = arith.cmpi slt, %add3A_68, %lt3A : i32
    %convert_element_type3A = arith.extui %lt3A_71 : i1 to i32
    %cond3A = arith.constant 0 : i32
    %cond3A_72 = arith.cmpi ne, %convert_element_type3A, %cond3A : i32
    scf.if %cond3A_72 {
      %dma_start3A = arith.constant 0 : i32
      %dma_start3A_95 = tpu.memref_slice %arg2[%dma_start3A, %multiple_of3A] : memref<3x2000000xf32, #tpu.memory_space<hbm>> -> memref<3x3200xf32, #tpu.memory_space<hbm>>
      %dma_start3A_96 = arith.constant 0 : i32
      %dma_start3A_97 = tpu.memref_slice %arg2[%dma_start3A_96, %multiple_of3A] : memref<3x2000000xf32, #tpu.memory_space<hbm>> -> memref<3x3200xf32, #tpu.memory_space<hbm>>
      tpu.enqueue_dma source(%dma_start3A_97 : memref<3x3200xf32, #tpu.memory_space<hbm>>) target(%arg5 : memref<3x3200xf32, #tpu.memory_space<vmem>>) target_semaphore(%arg11 : memref<!tpu.dma_semaphore, #tpu.memory_space<semaphore_mem>>)
      %dma_start3A_98 = tpu.memref_slice %arg3[%multiple_of3A] : memref<2000000xi32, #tpu.memory_space<hbm>> -> memref<3200xi32, #tpu.memory_space<hbm>>
      %dma_start3A_99 = tpu.memref_slice %arg3[%multiple_of3A] : memref<2000000xi32, #tpu.memory_space<hbm>> -> memref<3200xi32, #tpu.memory_space<hbm>>
      tpu.enqueue_dma source(%dma_start3A_99 : memref<3200xi32, #tpu.memory_space<hbm>>) target(%arg6 : memref<3200xi32, #tpu.memory_space<vmem>>) target_semaphore(%arg11 : memref<!tpu.dma_semaphore, #tpu.memory_space<semaphore_mem>>)
    } else {
    }
    %add3A_73 = arith.constant 32 : i32
    %add3A_74 = arith.addi %add3A, %add3A_73 : i32
    %mul3A_75 = arith.constant 3200 : i32
    %mul3A_76 = arith.muli %add3A_74, %mul3A_75 : i32
    %multiple_of3A_77 = tpu.assume_multiple %mul3A_76, 128 : i32
    %lt3A_78 = arith.constant 625 : i32
    %lt3A_79 = arith.cmpi slt, %add3A_74, %lt3A_78 : i32
    %convert_element_type3A_80 = arith.extui %lt3A_79 : i1 to i32
    %cond3A_81 = arith.constant 0 : i32
    %cond3A_82 = arith.cmpi ne, %convert_element_type3A_80, %cond3A_81 : i32
    scf.if %cond3A_82 {
      %dma_start3A = arith.constant 0 : i32
      %dma_start3A_95 = tpu.memref_slice %arg2[%dma_start3A, %multiple_of3A_77] : memref<3x2000000xf32, #tpu.memory_space<hbm>> -> memref<3x3200xf32, #tpu.memory_space<hbm>>
      %dma_start3A_96 = arith.constant 0 : i32
      %dma_start3A_97 = tpu.memref_slice %arg2[%dma_start3A_96, %multiple_of3A_77] : memref<3x2000000xf32, #tpu.memory_space<hbm>> -> memref<3x3200xf32, #tpu.memory_space<hbm>>
      tpu.enqueue_dma source(%dma_start3A_97 : memref<3x3200xf32, #tpu.memory_space<hbm>>) target(%arg7 : memref<3x3200xf32, #tpu.memory_space<vmem>>) target_semaphore(%arg12 : memref<!tpu.dma_semaphore, #tpu.memory_space<semaphore_mem>>)
      %dma_start3A_98 = tpu.memref_slice %arg3[%multiple_of3A_77] : memref<2000000xi32, #tpu.memory_space<hbm>> -> memref<3200xi32, #tpu.memory_space<hbm>>
      %dma_start3A_99 = tpu.memref_slice %arg3[%multiple_of3A_77] : memref<2000000xi32, #tpu.memory_space<hbm>> -> memref<3200xi32, #tpu.memory_space<hbm>>
      tpu.enqueue_dma source(%dma_start3A_99 : memref<3200xi32, #tpu.memory_space<hbm>>) target(%arg8 : memref<3200xi32, #tpu.memory_space<vmem>>) target_semaphore(%arg12 : memref<!tpu.dma_semaphore, #tpu.memory_space<semaphore_mem>>)
    } else {
    }
    %scan3A = arith.constant 0 : i32
    %scan3A_83 = arith.constant 0 : i32
    %scan3A_84 = arith.constant 11 : i32
    %scan3A_85 = arith.addi %scan3A_83, %scan3A_84 : i32
    %scan3A_86 = arith.constant 1 : i32
    %scan3A_87 = scf.for %scan3A_95 = %scan3A_83 to %scan3A_85 step %scan3A_86 iter_args(%scan3A_96 = %scan3A) -> (i32)  : i32 {
      %mul3A_97 = arith.constant 2 : i32
      %mul3A_98 = arith.muli %mul3A_97, %scan3A_95 : i32
      %add3A_99 = arith.constant 0 : i32
      %add3A_100 = arith.addi %mul3A_98, %add3A_99 : i32
      %mul3A_101 = arith.constant 32 : i32
      %mul3A_102 = arith.muli %mul3A_101, %add3A_100 : i32
      %add3A_103 = arith.addi %add3A, %mul3A_102 : i32
      %mul3A_104 = arith.constant 3200 : i32
      %mul3A_105 = arith.muli %add3A_103, %mul3A_104 : i32
      %multiple_of3A_106 = tpu.assume_multiple %mul3A_105, 128 : i32
      %lt3A_107 = arith.constant 625 : i32
      %lt3A_108 = arith.cmpi slt, %add3A_103, %lt3A_107 : i32
      %convert_element_type3A_109 = arith.extui %lt3A_108 : i1 to i32
      %cond3A_110 = arith.constant 0 : i32
      %cond3A_111 = arith.cmpi ne, %convert_element_type3A_109, %cond3A_110 : i32
      scf.if %cond3A_111 {
        %dma_wait3A = arith.constant 0 : i32
        %dma_wait3A_170 = tpu.memref_slice %arg2[%dma_wait3A, %multiple_of3A_106] : memref<3x2000000xf32, #tpu.memory_space<hbm>> -> memref<3x3200xf32, #tpu.memory_space<hbm>>
        %dma_wait3A_171 = arith.constant 0 : i32
        %dma_wait3A_172 = tpu.memref_slice %arg2[%dma_wait3A_171, %multiple_of3A_106] : memref<3x2000000xf32, #tpu.memory_space<hbm>> -> memref<3x3200xf32, #tpu.memory_space<hbm>>
        tpu.wait_dma2 semaphore(%arg11 : memref<!tpu.dma_semaphore, #tpu.memory_space<semaphore_mem>>) src(%dma_wait3A_172 : memref<3x3200xf32, #tpu.memory_space<hbm>>) dst(%arg5 : memref<3x3200xf32, #tpu.memory_space<vmem>>)
        %dma_wait3A_173 = tpu.memref_slice %arg3[%multiple_of3A_106] : memref<2000000xi32, #tpu.memory_space<hbm>> -> memref<3200xi32, #tpu.memory_space<hbm>>
        %dma_wait3A_174 = tpu.memref_slice %arg3[%multiple_of3A_106] : memref<2000000xi32, #tpu.memory_space<hbm>> -> memref<3200xi32, #tpu.memory_space<hbm>>
        tpu.wait_dma2 semaphore(%arg11 : memref<!tpu.dma_semaphore, #tpu.memory_space<semaphore_mem>>) src(%dma_wait3A_174 : memref<3200xi32, #tpu.memory_space<hbm>>) dst(%arg6 : memref<3200xi32, #tpu.memory_space<vmem>>)
      } else {
      }
      %mul3A_112 = arith.constant 32 : i32
      %mul3A_113 = arith.muli %mul3A_112, %add3A_100 : i32
      %add3A_114 = arith.addi %add3A, %mul3A_113 : i32
      %lt3A_115 = arith.constant 625 : i32
      %lt3A_116 = arith.cmpi slt, %add3A_114, %lt3A_115 : i32
      %convert_element_type3A_117 = arith.extui %lt3A_116 : i1 to i32
      %cond3A_118 = arith.constant 0 : i32
      %cond3A_119 = arith.cmpi ne, %convert_element_type3A_117, %cond3A_118 : i32
      scf.if %cond3A_119 {
        %parallel_loop3A = arith.constant 0 : i32
        %parallel_loop3A_170 = arith.constant 3200 : i32
        %parallel_loop3A_171 = arith.constant 16 : i32
        scf.for %parallel_loop3A_172 = %parallel_loop3A to %parallel_loop3A_170 step %parallel_loop3A_171  : i32 {
          %parallel_loop3A_173 = arith.constant 0 : i32
          %parallel_loop3A_174 = arith.index_cast %parallel_loop3A_173 : i32 to index
          %parallel_loop3A_175 = arith.index_cast %parallel_loop3A_172 : i32 to index
          %parallel_loop3A_176 = tpu.vector_load %arg5[%parallel_loop3A_174, %parallel_loop3A_175] {strides = array<i32>} : memref<3x3200xf32, #tpu.memory_space<vmem>>, vector<16xf32>,
          %parallel_loop3A_177 = arith.constant 1 : i32
          %parallel_loop3A_178 = arith.index_cast %parallel_loop3A_177 : i32 to index
          %parallel_loop3A_179 = arith.index_cast %parallel_loop3A_172 : i32 to index
          %parallel_loop3A_180 = tpu.vector_load %arg5[%parallel_loop3A_178, %parallel_loop3A_179] {strides = array<i32>} : memref<3x3200xf32, #tpu.memory_space<vmem>>, vector<16xf32>,
          %parallel_loop3A_181 = arith.constant 2 : i32
          %parallel_loop3A_182 = arith.index_cast %parallel_loop3A_181 : i32 to index
          %parallel_loop3A_183 = arith.index_cast %parallel_loop3A_172 : i32 to index
          %parallel_loop3A_184 = tpu.vector_load %arg5[%parallel_loop3A_182, %parallel_loop3A_183] {strides = array<i32>} : memref<3x3200xf32, #tpu.memory_space<vmem>>, vector<16xf32>,
          %parallel_loop3A_185 = arith.index_cast %parallel_loop3A_172 : i32 to index
          %parallel_loop3A_186 = tpu.vector_load %arg6[%parallel_loop3A_185] {strides = array<i32>} : memref<3200xi32, #tpu.memory_space<vmem>>, vector<16xi32>,
          %parallel_loop3A_187 = arith.maximumf %parallel_loop3A_176, %parallel_loop3A_180 : vector<16xf32>
          %parallel_loop3A_188 = arith.maximumf %parallel_loop3A_187, %parallel_loop3A_184 : vector<16xf32>
          %parallel_loop3A_189 = arith.subf %parallel_loop3A_176, %parallel_loop3A_188 : vector<16xf32>
          %parallel_loop3A_190 = math.exp %parallel_loop3A_189 : vector<16xf32>
          %parallel_loop3A_191 = arith.subf %parallel_loop3A_180, %parallel_loop3A_188 : vector<16xf32>
          %parallel_loop3A_192 = math.exp %parallel_loop3A_191 : vector<16xf32>
          %parallel_loop3A_193 = arith.addf %parallel_loop3A_190, %parallel_loop3A_192 : vector<16xf32>
          %parallel_loop3A_194 = arith.subf %parallel_loop3A_184, %parallel_loop3A_188 : vector<16xf32>
          %parallel_loop3A_195 = math.exp %parallel_loop3A_194 : vector<16xf32>
          %parallel_loop3A_196 = arith.addf %parallel_loop3A_193, %parallel_loop3A_195 : vector<16xf32>
          %parallel_loop3A_197 = arith.constant 1.000000e+00 : f32
          %parallel_loop3A_198 = vector.broadcast %parallel_loop3A_197 : f32 to vector<16xf32>
          %parallel_loop3A_199 = arith.divf %parallel_loop3A_198, %parallel_loop3A_196 : vector<16xf32>
          %parallel_loop3A_200 = arith.cmpf ogt, %parallel_loop3A_180, %parallel_loop3A_176 : vector<16xf32>
          %parallel_loop3A_201 = arith.constant 1 : i32
          %parallel_loop3A_202 = arith.constant 0 : i32
          %parallel_loop3A_203 = vector.broadcast %parallel_loop3A_201 : i32 to vector<16xi32>
          %parallel_loop3A_204 = vector.broadcast %parallel_loop3A_202 : i32 to vector<16xi32>
          %parallel_loop3A_205 = arith.select %parallel_loop3A_200, %parallel_loop3A_203, %parallel_loop3A_204 : vector<16xi1>, vector<16xi32>
          %parallel_loop3A_206 = arith.cmpf ogt, %parallel_loop3A_184, %parallel_loop3A_187 : vector<16xf32>
          %parallel_loop3A_207 = arith.constant 2 : i32
          %parallel_loop3A_208 = vector.broadcast %parallel_loop3A_207 : i32 to vector<16xi32>
          %parallel_loop3A_209 = arith.select %parallel_loop3A_206, %parallel_loop3A_208, %parallel_loop3A_205 : vector<16xi1>, vector<16xi32>
          %parallel_loop3A_210 = arith.cmpi eq, %parallel_loop3A_209, %parallel_loop3A_186 : vector<16xi32>
          %parallel_loop3A_211 = arith.constant 1.000000e+00 : f32
          %parallel_loop3A_212 = arith.constant 0.000000e+00 : f32
          %parallel_loop3A_213 = vector.broadcast %parallel_loop3A_211 : f32 to vector<16xf32>
          %parallel_loop3A_214 = vector.broadcast %parallel_loop3A_212 : f32 to vector<16xf32>
          %parallel_loop3A_215 = arith.select %parallel_loop3A_210, %parallel_loop3A_213, %parallel_loop3A_214 : vector<16xi1>, vector<16xf32>
          %parallel_loop3A_216 = arith.constant 1.500000e+01 : f32
          %parallel_loop3A_217 = vector.broadcast %parallel_loop3A_216 : f32 to vector<16xf32>
          %parallel_loop3A_218 = arith.mulf %parallel_loop3A_199, %parallel_loop3A_217 : vector<16xf32>
          %parallel_loop3A_219 = arith.fptosi %parallel_loop3A_218 : vector<16xf32> to vector<16xi32>
          %parallel_loop3A_220 = arith.sitofp %parallel_loop3A_219 : vector<16xi32> to vector<16xf32>
          %parallel_loop3A_221 = arith.cmpf oeq, %parallel_loop3A_218, %parallel_loop3A_220 : vector<16xf32>
          %parallel_loop3A_222 = arith.constant 1 : i32
          %parallel_loop3A_223 = arith.constant 0 : i32
          %parallel_loop3A_224 = vector.broadcast %parallel_loop3A_222 : i32 to vector<16xi32>
          %parallel_loop3A_225 = vector.broadcast %parallel_loop3A_223 : i32 to vector<16xi32>
          %parallel_loop3A_226 = arith.select %parallel_loop3A_221, %parallel_loop3A_224, %parallel_loop3A_225 : vector<16xi1>, vector<16xi32>
          %parallel_loop3A_227 = arith.subi %parallel_loop3A_219, %parallel_loop3A_226 : vector<16xi32>
          %parallel_loop3A_228 = arith.constant 16 : i32
          %parallel_loop3A_229 = vector.broadcast %parallel_loop3A_228 : i32 to vector<16xi32>
          %parallel_loop3A_230 = arith.muli %parallel_loop3A_227, %parallel_loop3A_229 : vector<16xi32>
          %parallel_loop3A_231 = arith.addi %parallel_loop3A_230, %iota3A : vector<16xi32>
          %parallel_loop3A_232 = arith.constant 4.096000e+03 : f32
          %parallel_loop3A_233 = vector.broadcast %parallel_loop3A_232 : f32 to vector<16xf32>
          %parallel_loop3A_234 = arith.addf %parallel_loop3A_215, %parallel_loop3A_233 : vector<16xf32>
          tpu.vector_store_idx %arg9[%parallel_loop3A_231], %parallel_loop3A_234 {add = true} : memref<240xf32, #tpu.memory_space<vmem>>[vector<16xi32>], vector<16xf32>,
          tpu.vector_store_idx %arg10[%parallel_loop3A_231], %parallel_loop3A_199 {add = true} : memref<240xf32, #tpu.memory_space<vmem>>[vector<16xi32>], vector<16xf32>,
        } {sc.loop_unroll_factor = 4 : i64, sc.parallel_access}
      } else {
      }
      %add3A_120 = arith.constant 2 : i32
      %add3A_121 = arith.addi %add3A_100, %add3A_120 : i32
      %mul3A_122 = arith.constant 32 : i32
      %mul3A_123 = arith.muli %mul3A_122, %add3A_121 : i32
      %add3A_124 = arith.addi %add3A, %mul3A_123 : i32
      %mul3A_125 = arith.constant 3200 : i32
      %mul3A_126 = arith.muli %add3A_124, %mul3A_125 : i32
      %multiple_of3A_127 = tpu.assume_multiple %mul3A_126, 128 : i32
      %lt3A_128 = arith.constant 625 : i32
      %lt3A_129 = arith.cmpi slt, %add3A_124, %lt3A_128 : i32
      %convert_element_type3A_130 = arith.extui %lt3A_129 : i1 to i32
      %cond3A_131 = arith.constant 0 : i32
      %cond3A_132 = arith.cmpi ne, %convert_element_type3A_130, %cond3A_131 : i32
      scf.if %cond3A_132 {
        %dma_start3A = arith.constant 0 : i32
        %dma_start3A_170 = tpu.memref_slice %arg2[%dma_start3A, %multiple_of3A_127] : memref<3x2000000xf32, #tpu.memory_space<hbm>> -> memref<3x3200xf32, #tpu.memory_space<hbm>>
        %dma_start3A_171 = arith.constant 0 : i32
        %dma_start3A_172 = tpu.memref_slice %arg2[%dma_start3A_171, %multiple_of3A_127] : memref<3x2000000xf32, #tpu.memory_space<hbm>> -> memref<3x3200xf32, #tpu.memory_space<hbm>>
        tpu.enqueue_dma source(%dma_start3A_172 : memref<3x3200xf32, #tpu.memory_space<hbm>>) target(%arg5 : memref<3x3200xf32, #tpu.memory_space<vmem>>) target_semaphore(%arg11 : memref<!tpu.dma_semaphore, #tpu.memory_space<semaphore_mem>>)
        %dma_start3A_173 = tpu.memref_slice %arg3[%multiple_of3A_127] : memref<2000000xi32, #tpu.memory_space<hbm>> -> memref<3200xi32, #tpu.memory_space<hbm>>
        %dma_start3A_174 = tpu.memref_slice %arg3[%multiple_of3A_127] : memref<2000000xi32, #tpu.memory_space<hbm>> -> memref<3200xi32, #tpu.memory_space<hbm>>
        tpu.enqueue_dma source(%dma_start3A_174 : memref<3200xi32, #tpu.memory_space<hbm>>) target(%arg6 : memref<3200xi32, #tpu.memory_space<vmem>>) target_semaphore(%arg11 : memref<!tpu.dma_semaphore, #tpu.memory_space<semaphore_mem>>)
      } else {
      }
      %mul3A_133 = arith.constant 2 : i32
      %mul3A_134 = arith.muli %mul3A_133, %scan3A_95 : i32
      %add3A_135 = arith.constant 1 : i32
      %add3A_136 = arith.addi %mul3A_134, %add3A_135 : i32
      %mul3A_137 = arith.constant 32 : i32
      %mul3A_138 = arith.muli %mul3A_137, %add3A_136 : i32
      %add3A_139 = arith.addi %add3A, %mul3A_138 : i32
      %mul3A_140 = arith.constant 3200 : i32
      %mul3A_141 = arith.muli %add3A_139, %mul3A_140 : i32
      %multiple_of3A_142 = tpu.assume_multiple %mul3A_141, 128 : i32
      %lt3A_143 = arith.constant 625 : i32
      %lt3A_144 = arith.cmpi slt, %add3A_139, %lt3A_143 : i32
      %convert_element_type3A_145 = arith.extui %lt3A_144 : i1 to i32
      %cond3A_146 = arith.constant 0 : i32
      %cond3A_147 = arith.cmpi ne, %convert_element_type3A_145, %cond3A_146 : i32
      scf.if %cond3A_147 {
        %dma_wait3A = arith.constant 0 : i32
        %dma_wait3A_170 = tpu.memref_slice %arg2[%dma_wait3A, %multiple_of3A_142] : memref<3x2000000xf32, #tpu.memory_space<hbm>> -> memref<3x3200xf32, #tpu.memory_space<hbm>>
        %dma_wait3A_171 = arith.constant 0 : i32
        %dma_wait3A_172 = tpu.memref_slice %arg2[%dma_wait3A_171, %multiple_of3A_142] : memref<3x2000000xf32, #tpu.memory_space<hbm>> -> memref<3x3200xf32, #tpu.memory_space<hbm>>
        tpu.wait_dma2 semaphore(%arg12 : memref<!tpu.dma_semaphore, #tpu.memory_space<semaphore_mem>>) src(%dma_wait3A_172 : memref<3x3200xf32, #tpu.memory_space<hbm>>) dst(%arg7 : memref<3x3200xf32, #tpu.memory_space<vmem>>)
        %dma_wait3A_173 = tpu.memref_slice %arg3[%multiple_of3A_142] : memref<2000000xi32, #tpu.memory_space<hbm>> -> memref<3200xi32, #tpu.memory_space<hbm>>
        %dma_wait3A_174 = tpu.memref_slice %arg3[%multiple_of3A_142] : memref<2000000xi32, #tpu.memory_space<hbm>> -> memref<3200xi32, #tpu.memory_space<hbm>>
        tpu.wait_dma2 semaphore(%arg12 : memref<!tpu.dma_semaphore, #tpu.memory_space<semaphore_mem>>) src(%dma_wait3A_174 : memref<3200xi32, #tpu.memory_space<hbm>>) dst(%arg8 : memref<3200xi32, #tpu.memory_space<vmem>>)
      } else {
      }
      %mul3A_148 = arith.constant 32 : i32
      %mul3A_149 = arith.muli %mul3A_148, %add3A_136 : i32
      %add3A_150 = arith.addi %add3A, %mul3A_149 : i32
      %lt3A_151 = arith.constant 625 : i32
      %lt3A_152 = arith.cmpi slt, %add3A_150, %lt3A_151 : i32
      %convert_element_type3A_153 = arith.extui %lt3A_152 : i1 to i32
      %cond3A_154 = arith.constant 0 : i32
      %cond3A_155 = arith.cmpi ne, %convert_element_type3A_153, %cond3A_154 : i32
      scf.if %cond3A_155 {
        %parallel_loop3A = arith.constant 0 : i32
        %parallel_loop3A_170 = arith.constant 3200 : i32
        %parallel_loop3A_171 = arith.constant 16 : i32
        scf.for %parallel_loop3A_172 = %parallel_loop3A to %parallel_loop3A_170 step %parallel_loop3A_171  : i32 {
          %parallel_loop3A_173 = arith.constant 0 : i32
          %parallel_loop3A_174 = arith.index_cast %parallel_loop3A_173 : i32 to index
          %parallel_loop3A_175 = arith.index_cast %parallel_loop3A_172 : i32 to index
          %parallel_loop3A_176 = tpu.vector_load %arg7[%parallel_loop3A_174, %parallel_loop3A_175] {strides = array<i32>} : memref<3x3200xf32, #tpu.memory_space<vmem>>, vector<16xf32>,
          %parallel_loop3A_177 = arith.constant 1 : i32
          %parallel_loop3A_178 = arith.index_cast %parallel_loop3A_177 : i32 to index
          %parallel_loop3A_179 = arith.index_cast %parallel_loop3A_172 : i32 to index
          %parallel_loop3A_180 = tpu.vector_load %arg7[%parallel_loop3A_178, %parallel_loop3A_179] {strides = array<i32>} : memref<3x3200xf32, #tpu.memory_space<vmem>>, vector<16xf32>,
          %parallel_loop3A_181 = arith.constant 2 : i32
          %parallel_loop3A_182 = arith.index_cast %parallel_loop3A_181 : i32 to index
          %parallel_loop3A_183 = arith.index_cast %parallel_loop3A_172 : i32 to index
          %parallel_loop3A_184 = tpu.vector_load %arg7[%parallel_loop3A_182, %parallel_loop3A_183] {strides = array<i32>} : memref<3x3200xf32, #tpu.memory_space<vmem>>, vector<16xf32>,
          %parallel_loop3A_185 = arith.index_cast %parallel_loop3A_172 : i32 to index
          %parallel_loop3A_186 = tpu.vector_load %arg8[%parallel_loop3A_185] {strides = array<i32>} : memref<3200xi32, #tpu.memory_space<vmem>>, vector<16xi32>,
          %parallel_loop3A_187 = arith.maximumf %parallel_loop3A_176, %parallel_loop3A_180 : vector<16xf32>
          %parallel_loop3A_188 = arith.maximumf %parallel_loop3A_187, %parallel_loop3A_184 : vector<16xf32>
          %parallel_loop3A_189 = arith.subf %parallel_loop3A_176, %parallel_loop3A_188 : vector<16xf32>
          %parallel_loop3A_190 = math.exp %parallel_loop3A_189 : vector<16xf32>
          %parallel_loop3A_191 = arith.subf %parallel_loop3A_180, %parallel_loop3A_188 : vector<16xf32>
          %parallel_loop3A_192 = math.exp %parallel_loop3A_191 : vector<16xf32>
          %parallel_loop3A_193 = arith.addf %parallel_loop3A_190, %parallel_loop3A_192 : vector<16xf32>
          %parallel_loop3A_194 = arith.subf %parallel_loop3A_184, %parallel_loop3A_188 : vector<16xf32>
          %parallel_loop3A_195 = math.exp %parallel_loop3A_194 : vector<16xf32>
          %parallel_loop3A_196 = arith.addf %parallel_loop3A_193, %parallel_loop3A_195 : vector<16xf32>
          %parallel_loop3A_197 = arith.constant 1.000000e+00 : f32
          %parallel_loop3A_198 = vector.broadcast %parallel_loop3A_197 : f32 to vector<16xf32>
          %parallel_loop3A_199 = arith.divf %parallel_loop3A_198, %parallel_loop3A_196 : vector<16xf32>
          %parallel_loop3A_200 = arith.cmpf ogt, %parallel_loop3A_180, %parallel_loop3A_176 : vector<16xf32>
          %parallel_loop3A_201 = arith.constant 1 : i32
          %parallel_loop3A_202 = arith.constant 0 : i32
          %parallel_loop3A_203 = vector.broadcast %parallel_loop3A_201 : i32 to vector<16xi32>
          %parallel_loop3A_204 = vector.broadcast %parallel_loop3A_202 : i32 to vector<16xi32>
          %parallel_loop3A_205 = arith.select %parallel_loop3A_200, %parallel_loop3A_203, %parallel_loop3A_204 : vector<16xi1>, vector<16xi32>
          %parallel_loop3A_206 = arith.cmpf ogt, %parallel_loop3A_184, %parallel_loop3A_187 : vector<16xf32>
          %parallel_loop3A_207 = arith.constant 2 : i32
          %parallel_loop3A_208 = vector.broadcast %parallel_loop3A_207 : i32 to vector<16xi32>
          %parallel_loop3A_209 = arith.select %parallel_loop3A_206, %parallel_loop3A_208, %parallel_loop3A_205 : vector<16xi1>, vector<16xi32>
          %parallel_loop3A_210 = arith.cmpi eq, %parallel_loop3A_209, %parallel_loop3A_186 : vector<16xi32>
          %parallel_loop3A_211 = arith.constant 1.000000e+00 : f32
          %parallel_loop3A_212 = arith.constant 0.000000e+00 : f32
          %parallel_loop3A_213 = vector.broadcast %parallel_loop3A_211 : f32 to vector<16xf32>
          %parallel_loop3A_214 = vector.broadcast %parallel_loop3A_212 : f32 to vector<16xf32>
          %parallel_loop3A_215 = arith.select %parallel_loop3A_210, %parallel_loop3A_213, %parallel_loop3A_214 : vector<16xi1>, vector<16xf32>
          %parallel_loop3A_216 = arith.constant 1.500000e+01 : f32
          %parallel_loop3A_217 = vector.broadcast %parallel_loop3A_216 : f32 to vector<16xf32>
          %parallel_loop3A_218 = arith.mulf %parallel_loop3A_199, %parallel_loop3A_217 : vector<16xf32>
          %parallel_loop3A_219 = arith.fptosi %parallel_loop3A_218 : vector<16xf32> to vector<16xi32>
          %parallel_loop3A_220 = arith.sitofp %parallel_loop3A_219 : vector<16xi32> to vector<16xf32>
          %parallel_loop3A_221 = arith.cmpf oeq, %parallel_loop3A_218, %parallel_loop3A_220 : vector<16xf32>
          %parallel_loop3A_222 = arith.constant 1 : i32
          %parallel_loop3A_223 = arith.constant 0 : i32
          %parallel_loop3A_224 = vector.broadcast %parallel_loop3A_222 : i32 to vector<16xi32>
          %parallel_loop3A_225 = vector.broadcast %parallel_loop3A_223 : i32 to vector<16xi32>
          %parallel_loop3A_226 = arith.select %parallel_loop3A_221, %parallel_loop3A_224, %parallel_loop3A_225 : vector<16xi1>, vector<16xi32>
          %parallel_loop3A_227 = arith.subi %parallel_loop3A_219, %parallel_loop3A_226 : vector<16xi32>
          %parallel_loop3A_228 = arith.constant 16 : i32
          %parallel_loop3A_229 = vector.broadcast %parallel_loop3A_228 : i32 to vector<16xi32>
          %parallel_loop3A_230 = arith.muli %parallel_loop3A_227, %parallel_loop3A_229 : vector<16xi32>
          %parallel_loop3A_231 = arith.addi %parallel_loop3A_230, %iota3A : vector<16xi32>
          %parallel_loop3A_232 = arith.constant 4.096000e+03 : f32
          %parallel_loop3A_233 = vector.broadcast %parallel_loop3A_232 : f32 to vector<16xf32>
          %parallel_loop3A_234 = arith.addf %parallel_loop3A_215, %parallel_loop3A_233 : vector<16xf32>
          tpu.vector_store_idx %arg9[%parallel_loop3A_231], %parallel_loop3A_234 {add = true} : memref<240xf32, #tpu.memory_space<vmem>>[vector<16xi32>], vector<16xf32>,
          tpu.vector_store_idx %arg10[%parallel_loop3A_231], %parallel_loop3A_199 {add = true} : memref<240xf32, #tpu.memory_space<vmem>>[vector<16xi32>], vector<16xf32>,
        } {sc.loop_unroll_factor = 4 : i64, sc.parallel_access}
      } else {
      }
      %add3A_156 = arith.constant 2 : i32
      %add3A_157 = arith.addi %add3A_136, %add3A_156 : i32
      %mul3A_158 = arith.constant 32 : i32
      %mul3A_159 = arith.muli %mul3A_158, %add3A_157 : i32
      %add3A_160 = arith.addi %add3A, %mul3A_159 : i32
      %mul3A_161 = arith.constant 3200 : i32
      %mul3A_162 = arith.muli %add3A_160, %mul3A_161 : i32
      %multiple_of3A_163 = tpu.assume_multiple %mul3A_162, 128 : i32
      %lt3A_164 = arith.constant 625 : i32
      %lt3A_165 = arith.cmpi slt, %add3A_160, %lt3A_164 : i32
      %convert_element_type3A_166 = arith.extui %lt3A_165 : i1 to i32
      %cond3A_167 = arith.constant 0 : i32
      %cond3A_168 = arith.cmpi ne, %convert_element_type3A_166, %cond3A_167 : i32
      scf.if %cond3A_168 {
        %dma_start3A = arith.constant 0 : i32
        %dma_start3A_170 = tpu.memref_slice %arg2[%dma_start3A, %multiple_of3A_163] : memref<3x2000000xf32, #tpu.memory_space<hbm>> -> memref<3x3200xf32, #tpu.memory_space<hbm>>
        %dma_start3A_171 = arith.constant 0 : i32
        %dma_start3A_172 = tpu.memref_slice %arg2[%dma_start3A_171, %multiple_of3A_163] : memref<3x2000000xf32, #tpu.memory_space<hbm>> -> memref<3x3200xf32, #tpu.memory_space<hbm>>
        tpu.enqueue_dma source(%dma_start3A_172 : memref<3x3200xf32, #tpu.memory_space<hbm>>) target(%arg7 : memref<3x3200xf32, #tpu.memory_space<vmem>>) target_semaphore(%arg12 : memref<!tpu.dma_semaphore, #tpu.memory_space<semaphore_mem>>)
        %dma_start3A_173 = tpu.memref_slice %arg3[%multiple_of3A_163] : memref<2000000xi32, #tpu.memory_space<hbm>> -> memref<3200xi32, #tpu.memory_space<hbm>>
        %dma_start3A_174 = tpu.memref_slice %arg3[%multiple_of3A_163] : memref<2000000xi32, #tpu.memory_space<hbm>> -> memref<3200xi32, #tpu.memory_space<hbm>>
        tpu.enqueue_dma source(%dma_start3A_174 : memref<3200xi32, #tpu.memory_space<hbm>>) target(%arg8 : memref<3200xi32, #tpu.memory_space<vmem>>) target_semaphore(%arg12 : memref<!tpu.dma_semaphore, #tpu.memory_space<semaphore_mem>>)
      } else {
      }
      %scan3A_169 = arith.constant 0 : i32
      scf.yield %scan3A_169 : i32
    }
    %scan3A_88 = arith.constant 11 : i32
    %mul3A_89 = arith.constant 2 : i32
    %mul3A_90 = arith.muli %mul3A_89, %add3A : i32
    "tpu.region"() ({
      %run_scoped3A = tpu.sem_alloc : memref<!tpu.dma_semaphore, #tpu.memory_space<semaphore_mem>>
      %dma_start3A = arith.constant 0 : i32
      %dma_start3A_95 = tpu.memref_slice %arg4[%mul3A_90, %dma_start3A] : memref<64x240xf32, #tpu.memory_space<hbm>> -> memref<1x240xf32, #tpu.memory_space<hbm>>
      %dma_start3A_96 = tpu.memref_squeeze %dma_start3A_95 : memref<1x240xf32, #tpu.memory_space<hbm>> -> memref<240xf32, #tpu.memory_space<hbm>>
      %dma_start3A_97 = arith.constant 0 : i32
      %dma_start3A_98 = tpu.memref_slice %arg4[%mul3A_90, %dma_start3A_97] : memref<64x240xf32, #tpu.memory_space<hbm>> -> memref<1x240xf32, #tpu.memory_space<hbm>>
      %dma_start3A_99 = tpu.memref_squeeze %dma_start3A_98 : memref<1x240xf32, #tpu.memory_space<hbm>> -> memref<240xf32, #tpu.memory_space<hbm>>
      tpu.enqueue_dma source(%arg9 : memref<240xf32, #tpu.memory_space<vmem>>) target(%dma_start3A_99 : memref<240xf32, #tpu.memory_space<hbm>>) target_semaphore(%run_scoped3A : memref<!tpu.dma_semaphore, #tpu.memory_space<semaphore_mem>>)
      %dma_wait3A = arith.constant 0 : i32
      %dma_wait3A_100 = tpu.memref_slice %arg4[%mul3A_90, %dma_wait3A] : memref<64x240xf32, #tpu.memory_space<hbm>> -> memref<1x240xf32, #tpu.memory_space<hbm>>
      %dma_wait3A_101 = tpu.memref_squeeze %dma_wait3A_100 : memref<1x240xf32, #tpu.memory_space<hbm>> -> memref<240xf32, #tpu.memory_space<hbm>>
      %dma_wait3A_102 = arith.constant 0 : i32
      %dma_wait3A_103 = tpu.memref_slice %arg4[%mul3A_90, %dma_wait3A_102] : memref<64x240xf32, #tpu.memory_space<hbm>> -> memref<1x240xf32, #tpu.memory_space<hbm>>
      %dma_wait3A_104 = tpu.memref_squeeze %dma_wait3A_103 : memref<1x240xf32, #tpu.memory_space<hbm>> -> memref<240xf32, #tpu.memory_space<hbm>>
      tpu.wait_dma2 semaphore(%run_scoped3A : memref<!tpu.dma_semaphore, #tpu.memory_space<semaphore_mem>>) src(%arg9 : memref<240xf32, #tpu.memory_space<vmem>>) dst(%dma_wait3A_104 : memref<240xf32, #tpu.memory_space<hbm>>)
      tpu.yield
    }) : () -> ()
    %mul3A_91 = arith.constant 2 : i32
    %mul3A_92 = arith.muli %mul3A_91, %add3A : i32
    %add3A_93 = arith.constant 1 : i32
    %add3A_94 = arith.addi %mul3A_92, %add3A_93 : i32
    "tpu.region"() ({
      %run_scoped3A = tpu.sem_alloc : memref<!tpu.dma_semaphore, #tpu.memory_space<semaphore_mem>>
      %dma_start3A = arith.constant 0 : i32
      %dma_start3A_95 = tpu.memref_slice %arg4[%add3A_94, %dma_start3A] : memref<64x240xf32, #tpu.memory_space<hbm>> -> memref<1x240xf32, #tpu.memory_space<hbm>>
      %dma_start3A_96 = tpu.memref_squeeze %dma_start3A_95 : memref<1x240xf32, #tpu.memory_space<hbm>> -> memref<240xf32, #tpu.memory_space<hbm>>
      %dma_start3A_97 = arith.constant 0 : i32
      %dma_start3A_98 = tpu.memref_slice %arg4[%add3A_94, %dma_start3A_97] : memref<64x240xf32, #tpu.memory_space<hbm>> -> memref<1x240xf32, #tpu.memory_space<hbm>>
      %dma_start3A_99 = tpu.memref_squeeze %dma_start3A_98 : memref<1x240xf32, #tpu.memory_space<hbm>> -> memref<240xf32, #tpu.memory_space<hbm>>
      tpu.enqueue_dma source(%arg10 : memref<240xf32, #tpu.memory_space<vmem>>) target(%dma_start3A_99 : memref<240xf32, #tpu.memory_space<hbm>>) target_semaphore(%run_scoped3A : memref<!tpu.dma_semaphore, #tpu.memory_space<semaphore_mem>>)
      %dma_wait3A = arith.constant 0 : i32
      %dma_wait3A_100 = tpu.memref_slice %arg4[%add3A_94, %dma_wait3A] : memref<64x240xf32, #tpu.memory_space<hbm>> -> memref<1x240xf32, #tpu.memory_space<hbm>>
      %dma_wait3A_101 = tpu.memref_squeeze %dma_wait3A_100 : memref<1x240xf32, #tpu.memory_space<hbm>> -> memref<240xf32, #tpu.memory_space<hbm>>
      %dma_wait3A_102 = arith.constant 0 : i32
      %dma_wait3A_103 = tpu.memref_slice %arg4[%add3A_94, %dma_wait3A_102] : memref<64x240xf32, #tpu.memory_space<hbm>> -> memref<1x240xf32, #tpu.memory_space<hbm>>
      %dma_wait3A_104 = tpu.memref_squeeze %dma_wait3A_103 : memref<1x240xf32, #tpu.memory_space<hbm>> -> memref<240xf32, #tpu.memory_space<hbm>>
      tpu.wait_dma2 semaphore(%run_scoped3A : memref<!tpu.dma_semaphore, #tpu.memory_space<semaphore_mem>>) src(%arg10 : memref<240xf32, #tpu.memory_space<vmem>>) dst(%dma_wait3A_104 : memref<240xf32, #tpu.memory_space<hbm>>)
      tpu.yield
    }) : () -> ()
    return
  }
}

</mosaic_0001>

<sc_bundles>
// kernel: kernel.3.cloned.1.call-start
scs
__scs_entry_jumppad:
0x0: {  	(pc) =	sbr.rel $0x88, $3  }
0x1: {  	(tag) =	ssettag $0x0;
	lr =	simm.s32 $0x1  }
0x2: {  	[smem:$0x3F9F] =	sst lr;
	_ =	strace $0xD0000000  }
0x3: {  	_ = 	snop  }
0x4: {  	_ = 	snop  }
0x5: {  	_ = 	snop  }
0x6: {  	_ = 	snop  }
0x7: {  	_ = 	snop  }
__scs_overlays_trampoline_lowered:
0x8: {  	[smem:$0x3FAE] =	sst s0  }
0x9: {  	[smem:$0x3FAF] =	sst s1  }
0xa: {  	[smem:$0x3FB0] =	sst s2  }
0xb: {  	[smem:$0x3FB1] =	sst s3  }
0xc: {  	[smem:$0x3FB2] =	sst s4  }
0xd: {  	[smem:$0x3FB3] =	sst s5  }
0xe: {  	[smem:$0x3FB4] =	sst s6  }
0xf: {  	[smem:$0x3FB5] =	sst s7  }
0x10: {  	[smem:$0x3FB6] =	sst s8  }
0x11: {  	[smem:$0x3FB7] =	sst s9;
	s0 =	simm.s32 @!p0 $0x0  }
0x12: {  	s1 =	sld [smem:$0x3F9D];
	s0 =	simm.s32 @p0 $0x1  }
0x13: {  	[smem:$0x3FB8] =	sst s0;
	s0 =	simm.s32 @!p1 $0x0  }
0x14: {  	s2 =	sld [smem:$0x3F9C];
	s0 =	simm.s32 @p1 $0x1  }
0x15: {  	[smem:$0x3FB9] =	sst s0;
	s0 =	simm.s32 @!p2 $0x0  }
0x16: {  	s3 =	sld [smem:$0x3FDB];
	s0 =	simm.s32 @p2 $0x1  }
0x17: {  	s4 =	simm.s32 $0x1BF5;
	[smem:$0x3FBB] =	sst s0  }
0x18: {  	s0 =	sld [smem:$0x3F9E];
	_ =	swait.ge [sflag:s4], $0x0  }
0x19: {  	s7 =	sld [smem:$0x3F9F]  }
0x1a: {  	s8 =	sadd.s32 $0xFFFFE003, lr  }
0x1b: {  	s9 =	sadd.s32 $0xFFFFFEF7, lr;
	s5 =	simm.s32 $0xFFFFFFFF;
	p2 =	slt.u32 s8, $0xFFFFF086  }
0x1c: {  	p1 =	slt.u32 s9, $0xF7A;
	s5 =	simm.s32 @!p2 $0x0  }
0x1d: {  	s5 =	simm.s32 @p1 $0x1;
	p0 =	seq.s32 s7, s2  }
0x1e: {  	s7 =	smul.u32 @!p0 $0xF7A, s2;
	p2 =	seq.s32 @!p0 s5, $0x0  }
0x1f: {  	s9 =	smul.u32 $0xF7A, s1;
	s8 =	simm.s32 @!p0 $0x1BF5;
	p2 =	por !p2, p0  }
0x20: {  	[sflag:s8] =	ssyncset.s32 @!p0 $0xFFFFF086;
	s6 =	sadd.s32 @!p0 s3, s7;
	s7 =	simm.s32 @!p0 $0x108  }
0x21: {  	s3 =	sadd.s32 s3, s9;
	s6 =	sadd.s32 @!p0 $0x88, s6;
	s7 =	simm.s32 @p2 $0x1082  }
0x22: {  	[simem:s7], [sflag:s8] =	dma.local @!p0 [hbm:s6], $0xF7A  }
0x23: {  	s9 =	sor.u32 $0xD0000000, s2;
	s6 =	simm.s32 $0x108;
	_ =	swait.ge @!p0 [sflag:s8], $0x0  }
0x24: {  	s3 =	sadd.s32 $0x88, s3;
	s6 =	simm.s32 @!p1 $0x1082;
	[sflag:s4] =	ssyncset.s32 $0xFFFFF086  }
0x25: {  	[simem:s6], [sflag:s4] =	dma.local [hbm:s3], $0xF7A  }
0x26: {  	[smem:$0x3F9F] =	sst s1;
	(tag) =	ssettag s2;
	_ =	strace s9  }
0x27: {  	s1 =	sld [smem:$0x3FAF]  }
0x28: {  	s2 =	sld [smem:$0x3FB0]  }
0x29: {  	s4 =	sld [smem:$0x3FB2]  }
0x2a: {  	p0 =	seq.s32 s5, $0x0;
	s5 =	sld [smem:$0x3FB3]  }
0x2b: {  	s6 =	sld [smem:$0x3FB4]  }
0x2c: {  	s7 =	sld [smem:$0x3FB5]  }
0x2d: {  	s3 =	simm.s32 $0x108;
	s8 =	sld [smem:$0x3FB6]  }
0x2e: {  	s3 =	simm.s32 @!p0 $0x1082;
	s9 =	sld [smem:$0x3FB7]  }
0x2f: {  	lr =	sadd.s32 s0, s3;
	s0 =	sld [smem:$0x3FAE]  }
0x30: {  	s3 =	sld [smem:$0x3FB1]  }
0x31: {  	[smem:$0x3FBA] =	sst s10  }
0x32: {  	s10 =	sld [smem:$0x3FB8];
	_ =	sdelay $0x3  }
0x33: {  	p0 =	seq.s32 s10, $0x1;
	s10 =	sld [smem:$0x3FBA];
	_ =	sdelay $0x3  }
0x34: {  	[smem:$0x3FBA] =	sst s10  }
0x35: {  	s10 =	sld [smem:$0x3FB9];
	_ =	sdelay $0x3  }
0x36: {  	p1 =	seq.s32 s10, $0x1;
	s10 =	sld [smem:$0x3FBA];
	_ =	sdelay $0x3  }
0x37: {  	[smem:$0x3FBA] =	sst s10  }
0x38: {  	s10 =	sld [smem:$0x3FBB]  }
0x39: {  	_ = 	snop;
	(pc) =	sbr.ind lr, $3  }
0x3a: {  	_ = 	snop  }
0x3b: {  	_ = 	snop  }
0x3c: {  	p2 =	seq.s32 s10, $0x1;
	s10 =	sld [smem:$0x3FBA]  }
0x3d: {  	_ =	shalt  }
0x3e: {  	_ =	shalt  }
0x3f: {  	_ =	shalt  }
0x40: {  	_ =	shalt  }
0x41: {  	_ =	shalt  }
0x42: {  	_ =	shalt  }
0x43: {  	_ =	shalt  }
0x44: {  	_ =	shalt  }
0x45: {  	_ =	shalt  }
0x46: {  	_ =	shalt  }
0x47: {  	_ =	shalt  }
0x48: {  	_ =	shalt  }
0x49: {  	_ =	shalt  }
0x4a: {  	_ =	shalt  }
0x4b: {  	_ =	shalt  }
0x4c: {  	_ =	shalt  }
0x4d: {  	_ =	shalt  }
0x4e: {  	_ =	shalt  }
0x4f: {  	_ =	shalt  }
0x50: {  	_ =	shalt  }
0x51: {  	_ =	shalt  }
0x52: {  	_ =	shalt  }
0x53: {  	_ =	shalt  }
0x54: {  	_ =	shalt  }
0x55: {  	_ =	shalt  }
0x56: {  	_ =	shalt  }
0x57: {  	_ =	shalt  }
0x58: {  	_ =	shalt  }
0x59: {  	_ =	shalt  }
0x5a: {  	_ =	shalt  }
0x5b: {  	_ =	shalt  }
0x5c: {  	_ =	shalt  }
0x5d: {  	_ =	shalt  }
0x5e: {  	_ =	shalt  }
0x5f: {  	_ =	shalt  }
0x60: {  	_ =	shalt  }
0x61: {  	_ =	shalt  }
0x62: {  	_ =	shalt  }
0x63: {  	_ =	shalt  }
0x64: {  	_ =	shalt  }
0x65: {  	_ =	shalt  }
0x66: {  	_ =	shalt  }
0x67: {  	_ =	shalt  }
0x68: {  	_ =	shalt  }
0x69: {  	_ =	shalt  }
0x6a: {  	_ =	shalt  }
0x6b: {  	_ =	shalt  }
0x6c: {  	_ =	shalt  }
0x6d: {  	_ =	shalt  }
0x6e: {  	_ =	shalt  }
0x6f: {  	_ =	shalt  }
0x70: {  	_ =	shalt  }
0x71: {  	_ =	shalt  }
0x72: {  	_ =	shalt  }
0x73: {  	_ =	shalt  }
0x74: {  	_ =	shalt  }
0x75: {  	_ =	shalt  }
0x76: {  	_ =	shalt  }
0x77: {  	_ =	shalt  }
0x78: {  	_ =	shalt  }
0x79: {  	_ =	shalt  }
0x7a: {  	_ =	shalt  }
0x7b: {  	_ =	shalt  }
0x7c: {  	_ =	shalt  }
0x7d: {  	_ =	shalt  }
0x7e: {  	_ =	shalt  }
0x7f: {  	_ =	shalt  }
0x80: {  	_ =	shalt  }
0x81: {  	_ =	shalt  }
0x82: {  	_ =	shalt  }
0x83: {  	_ =	shalt  }
0x84: {  	_ =	shalt  }
0x85: {  	_ =	shalt  }
0x86: {  	_ =	shalt  }
0x87: {  	_ =	shalt  }
.Lfunc_end0:
.L_simem_size_0:
called_computation_lowered:
.L_overlay_start_0:
0x88: {  	s2 =	sld [smem:$0x3FD9]  }
0x89: {  	s3 =	sld [smem:$0x3FFE];
	_ =	sdelay $0x1  }
0x8a: {  	s1 =	srdreg.scid  }
0x8b: {  	s0 =	sand.u32 $0x1, s1  }
0x8c: {  	s17 =	sshll.u32 s0, $0xA;
	s2 =	sadd.s32 s3, s2  }
0x8d: {  	s2 =	sadd.s32 s2, s17  }
0x8e: {  	[smem:$0x3FC6] =	sst s2  }
0x8f: {  	_ = 	snop  }
0x90: {  	s2 =	sld [smem:$0x3FC9]  }
0x91: {  	s18 =	sld [smem:$0x3FC8];
	(tm) =	ssettm $0x1  }
0x92: {  	s4 =	sld [smem:$0x3FFB];
	_ =	sdelay $0x3  }
0x93: {  	_ =	strace s4  }
0x94: {  	s4 =	sld [smem:$0x3FFC];
	_ =	sdelay $0x3  }
0x95: {  	_ =	strace s4  }
0x96: {  	s4 =	sld [smem:$0x3FFD];
	_ =	sdelay $0x3  }
0x97: {  	_ =	strace s4  }
0x98: {  	_ =	strace $0x8FFFFFFF  }
0x99: {  	s19 =	sld [smem:$0x3FDB];
	_ =	sdelay $0x1  }
0x9a: {  	s5 =	simm.s32 $_scs_section_size  }
0x9b: {  	s6 =	simm.s32 $_size__tile_overlayer_lowered;
	s7 =	simm.s32 $_tile_overlayer_lowered  }
0x9c: {  	s22 =	simm.s32 $0x1BFF;
	s21 =	sshll.u32 s7, $0x1;
	s4 =	sadd.s32 s5, s19  }
0x9d: {  	s8 =	simm.s32 $0x0;
	s20 =	sshll.u32 s6, $0x1;
	s6 =	sadd.s32 s21, s4  }
0x9e: {  	[timem:s8], [sflag:s22] =	dma.local [hbm:s6], s20  }
0x9f: {  	_ =	swait.ge [sflag:s22], s20  }
0xa0: {  	s5 =	ssub.s32 $0x0, s20;
	[sflag:s22] =	ssyncset.done $0x0  }
0xa1: {  	[sflag:s22] =	ssyncadd.s32 s5;
	_ =	sdelay $0x1  }
0xa2: {  	s23 =	simm.s32 $0x1B8B  }
0xa3: {  	_ =	swait.ge [sflag:s23], $0x1  }
0xa4: {  	[sflag:s23] =	ssyncset.done $0x0  }
0xa5: {  	s25 =	simm.s32 $0x1B8E;
	s24 =	sld [smem:$0x3FFE];
	[sflag:s23] =	ssyncadd.s32 $0xFFFFFFFF  }
0xa6: {  	s26 =	simm.s32 $execute0_lowered;
	[smem:$0x3FD2] =	sst s25  }
0xa7: {  	s6 =	sshll.u32 s26, $0x1;
	_ =	strace $0x80000046;
	[dreg:$0x1] =	wrdreg $0xFFFFFFFF  }
0xa8: {  	s28 =	simm.s32 $_size_execute0_lowered;
	s4 =	sadd.s32 s4, s6;
	[dreg:$0x0] =	wrdreg $0x0  }
0xa9: {  	s6 =	sshll.u32 s28, $0x1;
	[dreg:$0x2] =	wrdreg s4  }
0xaa: {  	[dreg:$0x3] =	wrdreg s6  }
0xab: {  	[dreg:$0x4] =	wrdreg $0xC0  }
0xac: {  	_ =	task [dreg:s8], $0x5FFFF  }
0xad: {  	[dreg:$0x1] =	wrdreg $0xFFFFFFFF  }
0xae: {  	[dreg:$0x0] =	wrdreg $0x60  }
0xaf: {  	[dreg:$0x2] =	wrdreg s2  }
0xb0: {  	[dreg:$0x3] =	wrdreg s18  }
0xb1: {  	[dreg:$0x4] =	wrdreg s24  }
0xb2: {  	[dreg:$0x5] =	wrdreg $0x9  }
0xb3: {  	_ =	task.clear_ibuf [dreg:s8], $0x6FFFF;
	_ =	strace $0x90000046  }
0xb4: {  	s29 =	simm.s32 $0x9;
	_ =	strace $0x80000048  }
0xb5: {  	_ =	swait.ge [sflag:s29], $0x1  }
0xb6: {  	[sflag:s29] =	ssyncadd.s32 $0xFFFFFFFF  }
0xb7: {  	_ =	strace $0x90000048  }
0xb8: {  	_ =	sfence  }
0xb9: {  	s30 =	sld [smem:$0x0];
	_ =	sdelay $0x2  }
0xba: {  	s31 =	sshll.u32 s1, $0xD;
	s1 =	sshrl.u32 s1, $0x2  }
0xbb: {  	s3 =	sand.u32 $0x4000, s31;
	s1 =	sadd.s32 s1, s30  }
0xbc: {  	s0 =	sor.u32 s3, s0;
	s1 =	sshll.u32 s1, $0x11  }
0xbd: {  	s0 =	sor.u32 s1, s0  }
0xbe: {  	s0 =	sadd.s32 $0x8F2B, s0  }
0xbf: {  	[sflag:s0] =	ssyncadd.remote.s32 $0x1  }
0xc0: {  	_ =	sfence.sel $0xFFFF  }
0xc1: {  	[dreg:$0x0] =	wrdreg $0xFFFFFFFF;
	(pc) =	sbr.abs _section_cstart, $3  }
0xc2: {  	[dreg:$0x1] =	wrdreg $0xFFFFFFFF  }
0xc3: {  	_ =	task.clear_ibuf [dreg:s8], $0x2FFFF;
	_ =	strace $0x9FFFFFFF  }
0xc4: {  	(tm) =	ssettm $0x7FFFFFFF  }
0xc5: {  	_ =	shalt  }
tec
execute0_lowered:
.L_overlay_start_1:
0x0: {  	(tag) =	ssettag $0x1  }
0x1: {  	s1 =	rddreg [dreg:$0x0]  }
0x2: {  	s3 =	rddreg [dreg:$0x1]  }
0x3: {  	s0 =	rddreg [dreg:$0x2];
	s2 =	srdreg.scid  }
0x4: {  	s10 =	stileid.u32;
	s4 =	simm.s32 $0x0;
	s19 =	simm.s32 $0x1  }
0x5: {  	s20 =	simm.s32 $0x7D00;
	s21 =	simm.s32 $0x7E00;
	s2 =	sand.u32 $0x1, s2  }
0x6: {  	s5 =	sshll.u32 s10, $0x1;
	[smem:$0x7FF] =	sst s4;
	s24 =	sshll.u32 s10, $0x7  }
0x7: {  	s5 =	sor.u32 s2, s5;
	_ =	strace $0x80000047;
	s2 =	ssub.s32 $0x2, s2  }
0x8: {  	s26 =	sand.u32 $0x700, s24;
	s6 =	smul.u32 $0x640, s5;
	s7 =	sshrl.u32 s2, $0x1  }
0x9: {  	s8 =	smul.u32 $0x190, s5;
	s9 =	sor.u32 $0x20, s5;
	s25 =	sshll.u32 s5, $0x5  }
0xa: {  	s10 =	sor.u32 $0x40, s5;
	s12 =	sor.u32 $0x60, s5;
	s13 =	ssub.s32 $0x251, s5  }
0xb: {  	s2 =	ssub.s32 s2, s7;
	s22 =	smul.u32 $0x640, s9;
	s6 =	sadd.s32 s1, s6  }
0xc: {  	s23 =	smul.u32 $0x190, s9;
	s8 =	sadd.s32 s3, s8;
	[dreg:$0x4] =	wrdreg s6  }
0xd: {  	s28 =	sand.u32 $0x60, s25;
	s31 =	smax.u32 s2, $0x1;
	[dreg:$0x5] =	wrdreg s8  }
.Ltmp0:
0xe: {  	s6 =	sadd.s32 s1, s22;
	[dreg:$0xa] =	wrdreg s31;
	(pc) =	sbr.rel .LBB2_1-.Ltmp0, $4  }
0xf: {  	s30 =	sor.u32 s26, s28;
	s29 =	sadd.s32 s3, s23;
	[dreg:$0x6] =	wrdreg s6  }
0x10: {  	s9 =	ssub.s32 $0x271, s5;
	s0 =	sadd.s32 s0, s30;
	[dreg:$0x7] =	wrdreg s29  }
0x11: {  	v0 =	vimm.f32 $0.0e+00;
	s25 =	simm.s32 $0x3;
	[dreg:$0x8] =	wrdreg s0;
	s0 =	sadd.s32 $0x10, s0  }
0x12: {  	v1 =	vimm.s32 $0x0;
	v2 =	vimm.f32 $4.096000000e+03;
	v3 =	vlaneseq.u32;
	s26 =	simm.s32 $0x0;
	s22 =	simm.s32 $0x2;
	[dreg:$0x9] =	wrdreg s0  }
.LBB2_11:
0x13: {  	s0 =	rddreg [dreg:$0x8];
	s2 =	simm.s32 $0x80;
	s5 =	simm.s32 $0x400  }
0x14: {  	[hbm4b:s0+s2] =	stream.strided.scatter [tilespmem:s20], [sflag:$0x3], $0x100, s5, s2, $0x38;
	[tilespmem:$0x7F00] =	vst v63  }
0x15: {  	_ =	swait.ge [sflag:s25], $0x100  }
0x16: {  	[sflag:s25] =	ssyncset.done $0x0  }
0x17: {  	s30 =	rddreg [dreg:$0x9];
	[sflag:s25] =	ssyncadd.s32 $0xFFFFFF00  }
0x18: {  	[hbm4b:s30+s2] =	stream.strided.scatter [tilespmem:s21], [sflag:$0x3], $0x100, s5, s2, $0x38;
	[tilespmem:$0x7F00] =	vst v63  }
0x19: {  	_ =	swait.ge [sflag:s25], $0x100  }
0x1a: {  	s26 =	sadd.s32 $0x1, s26;
	s31 =	rddreg [dreg:$0xa]  }
0x1b: {  	p0 =	sne.s32 s26, s31  }
.Ltmp1:
0x1c: {  	_ = 	snop;
	(pc) =	sbr.rel @!p0 .LBB2_12-.Ltmp1, $3  }
0x1d: {  	_ =	sdelay $0x1  }
0x1e: {  	[sflag:s25] =	ssyncset.done $0x0  }
0x1f: {  	[sflag:s25] =	ssyncadd.s32 $0xFFFFFF00  }
.LBB2_1:
0x20: {  	[tilespmem:$0x7D00] =	vst v0  }
0x21: {  	[tilespmem:$0x7E00] =	vst v0  }
0x22: {  	[tilespmem:$0x7D10] =	vst v0  }
0x23: {  	[tilespmem:$0x7E10] =	vst v0  }
0x24: {  	[tilespmem:$0x7D20] =	vst v0  }
0x25: {  	[tilespmem:$0x7E20] =	vst v0  }
0x26: {  	[tilespmem:$0x7D30] =	vst v0  }
0x27: {  	[tilespmem:$0x7E30] =	vst v0  }
0x28: {  	[tilespmem:$0x7D40] =	vst v0  }
0x29: {  	[tilespmem:$0x7E40] =	vst v0  }
0x2a: {  	[tilespmem:$0x7D50] =	vst v0  }
0x2b: {  	[tilespmem:$0x7E50] =	vst v0  }
0x2c: {  	[tilespmem:$0x7D60] =	vst v0  }
0x2d: {  	[tilespmem:$0x7E60] =	vst v0  }
0x2e: {  	[tilespmem:$0x7D70] =	vst v0  }
0x2f: {  	[tilespmem:$0x7E70] =	vst v0  }
0x30: {  	[tilespmem:$0x7D80] =	vst v0  }
0x31: {  	[tilespmem:$0x7E80] =	vst v0  }
0x32: {  	[tilespmem:$0x7D90] =	vst v0  }
0x33: {  	[tilespmem:$0x7E90] =	vst v0  }
0x34: {  	[tilespmem:$0x7DA0] =	vst v0  }
0x35: {  	[tilespmem:$0x7EA0] =	vst v0  }
0x36: {  	[tilespmem:$0x7DB0] =	vst v0  }
0x37: {  	[tilespmem:$0x7EB0] =	vst v0  }
0x38: {  	[tilespmem:$0x7DC0] =	vst v0  }
0x39: {  	[tilespmem:$0x7EC0] =	vst v0  }
0x3a: {  	[tilespmem:$0x7DD0] =	vst v0  }
0x3b: {  	[tilespmem:$0x7ED0] =	vst v0  }
0x3c: {  	[tilespmem:$0x7DE0] =	vst v0  }
0x3d: {  	[tilespmem:$0x7EE0] =	vst v0;
	s0 =	rddreg [dreg:$0x4]  }
0x3e: {  	[tilespmem:s4], [sflag:$0x1] =	stream.linear.gather [hbm4b:s0+s4], $0x3200, $0x38;
	[tilespmem:$0x7F00] =	vst v63  }
0x3f: {  	s23 =	rddreg [dreg:$0x5];
	s2 =	simm.s32 $0x3200  }
0x40: {  	[tilespmem:s2], [sflag:$0x1] =	stream.linear.gather [hbm4b:s23+s4], $0xC80, $0x38;
	[tilespmem:$0x7F00] =	vst v63  }
.Ltmp2:
0x41: {  	_ = 	snop;
	(pc) =	sbr.rel .LBB2_2-.Ltmp2, $4  }
0x42: {  	s24 =	rddreg [dreg:$0x6];
	s29 =	simm.s32 $0x3E80  }
0x43: {  	[tilespmem:s29], [sflag:$0x2] =	stream.linear.gather [hbm4b:s24+s4], $0x3200, $0x38;
	[tilespmem:$0x7F00] =	vst v63  }
0x44: {  	s30 =	rddreg [dreg:$0x7];
	s31 =	simm.s32 $0x7080;
	s28 =	simm.s32 $0x0  }
0x45: {  	[tilespmem:s31], [sflag:$0x2] =	stream.linear.gather [hbm4b:s30+s4], $0xC80, $0x38;
	[tilespmem:$0x7F00] =	vst v63  }
.LBB2_10:
0x46: {  	s0 =	sadd.s32 s12, s29  }
0x47: {  	p0 =	sgt.u32 s0, $0x270  }
0x48: {  	s2 =	smul.u32 @!p0 $0x640, s0  }
0x49: {  	s5 =	simm.s32 @!p0 $0x0  }
0x4a: {  	s6 =	simm.s32 @!p0 $0x3E80;
	s0 =	smul.u32 @!p0 $0x190, s0;
	s2 =	sadd.s32 @!p0 s1, s2  }
0x4b: {  	[tilespmem:s6], [sflag:$0x2] =	stream.linear.gather @!p0 [hbm4b:s2+s5], $0x3200, $0x38;
	[tilespmem:$0x7F00] =	vst v63  }
0x4c: {  	s28 =	sadd.s32 $0x1, s28;
	s0 =	sadd.s32 @!p0 s3, s0;
	s2 =	simm.s32 @!p0 $0x7080  }
0x4d: {  	[tilespmem:s2], [sflag:$0x2] =	stream.linear.gather @!p0 [hbm4b:s0+s5], $0xC80, $0x38;
	[tilespmem:$0x7F00] =	vst v63  }
0x4e: {  	p0 =	sne.s32 s28, $0xB  }
.Ltmp3:
0x4f: {  	_ = 	snop;
	(pc) =	sbr.rel @!p0 .LBB2_11-.Ltmp3, $1  }
0x50: {  	_ =	sdelay $0x3  }
.LBB2_2:
0x51: {  	s29 =	sshll.u32 s28, $0x6  }
0x52: {  	p0 =	sge.u32 s29, s9  }
.Ltmp4:
0x53: {  	_ = 	snop;
	(pc) =	sbr.rel @p0 .LBB2_6-.Ltmp4, $1  }
0x54: {  	_ =	sdelay $0x3  }
0x55: {  	_ =	swait.ge [sflag:s19], $0x3200  }
0x56: {  	[sflag:s19] =	ssyncset.done $0x0  }
0x57: {  	s5 =	simm.s32 $0x0;
	[sflag:s19] =	ssyncadd.s32 $0xFFFFCE00  }
0x58: {  	s0 =	simm.s32 $0x0;
	s2 =	sand.u32 $0x40, s5;
	_ =	swait.ge [sflag:s19], $0xC80  }
0x59: {  	s0 =	sand.u32 $0x3E00, s0;
	s31 =	sor.u32 $0x30, s2;
	[sflag:s19] =	ssyncset.done $0x0  }
0x5a: {  	s6 =	sor.u32 s31, s0;
	[sflag:s19] =	ssyncadd.s32 $0xFFFFF380  }
0x5b: {  	v13 =	vld [tilespmem:s6+$0x0]  }
0x5c: {  	v14 =	vld [tilespmem:s6+$0x80]  }
0x5d: {  	v8 =	vld [tilespmem:s6+$0x100];
	_ =	sdelay $0x3  }
0x5e: {  	s18 =	sor.u32 $0x10, s2;
	v9 =	vmax.f32 v13, v14  }
0x5f: {  	s23 =	sor.u32 s18, s0;
	v4 =	vmax.f32 v9, v8  }
0x60: {  	s17 =	sor.u32 $0x20, s2;
	v5 =	vld [tilespmem:s23+$0x0];
	v6 =	vsub.f32 v13, v4  }
0x61: {  	s7 =	sor.u32 s17, s0;
	v7 =	vld [tilespmem:s23+$0x80];
	v10 =	vsub.f32 v14, v4  }
0x62: {  	v11 =	vld [tilespmem:s7+$0x0];
	v6 =	vmul.f32 $1.442695020e+00, v6  }
0x63: {  	v15 =	vld [tilespmem:s23+$0x100];
	v4 =	vsub.f32 v8, v4;
	v10 =	vmul.f32 $1.442695020e+00, v10  }
0x64: {  	v12 =	vld [tilespmem:s7+$0x80];
	(erf) = vpow2.f32 v6  }
0x65: {  	v4 =	vmul.f32 $1.442695020e+00, v4;
	(erf) = vpow2.f32 v10;
	v10 =	vld [tilespmem:s7+$0x100]  }
0x66: {  	s0 =	sor.u32 s2, s0  }
0x67: {  	v16 =	vld [tilespmem:s0+$0x80];
	(erf) = vpow2.f32 v4;
	v4 =	vmax.f32 v5, v7  }
0x68: {  	v6 =	vld [tilespmem:s0+$0x0];
	v18 =	vmax.f32 v4, v15  }
0x69: {  	v17 =	vld [tilespmem:s0+$0x100];
	v19 =	vmax.f32 v11, v12;
	v20 =	vsub.f32 v5, v18  }
0x6a: {  	v22 =	vmax.f32 v19, v10  }
0x6b: {  	v20 =	vmul.f32 $1.442695020e+00, v20;
	v24 =	vsub.f32 v11, v22  }
0x6c: {  	v21 =	vsub.f32 v7, v18  }
0x6d: {  	v23 =	vmax.f32 v6, v16;
	(erf) = vpow2.f32 v20;
	v20 =	vmul.f32 $1.442695020e+00, v24  }
0x6e: {  	v21 =	vmul.f32 $1.442695020e+00, v21;
	v25 =	vmax.f32 v23, v17;
	v26 =	vsub.f32 v12, v22;
	v27 =	vpop (erf)  }
0x6f: {  	v28 =	vsub.f32 v6, v25;
	v24 =	vpop (erf)  }
0x70: {  	v26 =	vmul.f32 $1.442695020e+00, v26;
	(erf) = vpow2.f32 v21;
	v24 =	vadd.f32 v24, v27  }
0x71: {  	v21 =	vsub.f32 v16, v25;
	v27 =	vmul.f32 $1.442695020e+00, v28;
	(erf) = vpow2.f32 v20;
	v20 =	vpop (erf)  }
0x72: {  	v18 =	vsub.f32 v15, v18;
	(erf) = vpow2.f32 v26;
	v20 =	vadd.f32 v24, v20  }
0x73: {  	v22 =	vsub.f32 v10, v22;
	v21 =	vmul.f32 $1.442695020e+00, v21;
	(erf) = vpow2.f32 v27  }
0x74: {  	v18 =	vmul.f32 $1.442695020e+00, v18;
	v24 =	vsub.f32 v17, v25;
	(erf) = vrcp.f32 v20  }
0x75: {  	v20 =	vmul.f32 $1.442695020e+00, v22;
	(erf) = vpow2.f32 v21  }
0x76: {  	v21 =	vmul.f32 $1.442695020e+00, v24;
	(erf) = vpow2.f32 v18  }
0x77: {  	(erf) = vpow2.f32 v20  }
0x78: {  	s0 =	simm.s32 $0x40;
	v18 =	vpop (erf);
	(erf) = vpow2.f32 v21  }
0x79: {  	s16 =	simm.s32 $0x100;
	vm0 =	vgt.f32 v7, v5;
	s6 =	sand.u32 $0x40, s0;
	v20 =	vpop (erf)  }
0x7a: {  	s8 =	sand.u32 $0x3E00, s16;
	vm1 =	vgt.f32 v12, v11;
	s2 =	sor.u32 $0x30, s6;
	v11 =	vsel vm0, $0x1, v1;
	vm0 =	vgt.f32 v16, v6;
	v21 =	vpop (erf)  }
0x7b: {  	s5 =	sand.u32 $0xF80, s5;
	vm2 =	vgt.f32 v15, v4;
	s11 =	sor.u32 s2, s8;
	v7 =	vsel vm0, $0x1, v1;
	vm0 =	vgt.f32 v17, v23;
	v5 =	vpop (erf)  }
0x7c: {  	s24 =	simm.s32 $0x0;
	s5 =	sadd.s32 $0x3200, s5;
	v4 =	vsel vm1, $0x1, v1;
	vm1 =	vgt.f32 v10, v19;
	v10 =	vsel vm0, $0x2, v7;
	v7 =	vld [tilespmem:s11+$0x80];
	v6 =	vpop (erf)  }
0x7d: {  	s14 =	sor.u32 s31, s5;
	v16 =	vld [tilespmem:s24+$0x3200];
	v15 =	vpop (erf)  }
0x7e: {  	s30 =	sor.u32 $0x10, s6;
	s31 =	sor.u32 $0x20, s6;
	s6 =	sor.u32 s6, s8;
	v12 =	vadd.f32 v20, v18;
	v19 =	vadd.f32 v5, v21;
	v5 =	vld [tilespmem:s11+$0x0];
	v17 =	vmul.f32 $1.500000000e+01, v15;
	v18 =	vpop (erf)  }
0x7f: {  	v29 =	vld [tilespmem:s6+$0x100];
	v20 =	vpop (erf)  }
0x80: {  	v18 =	vadd.f32 v18, v6;
	v6 =	vld [tilespmem:s11+$0x100];
	v12 =	vadd.f32 v12, v20;
	v20 =	vtrunc.f32 v17;
	v21 =	vpop (erf)  }
0x81: {  	s23 =	sor.u32 s30, s8;
	v23 =	vld [tilespmem:s6+$0x80];
	v19 =	vadd.f32 v19, v21;
	v21 =	vcvt.f32.s32 v20;
	v22 =	vpop (erf);
	vm0 =	veq.f32 v17, v20  }
0x82: {  	v17 =	vld [tilespmem:s23+$0x0];
	v18 =	vadd.f32 v18, v22;
	(erf) = vrcp.f32 v12;
	v12 =	vsel vm1, $0x2, v4  }
0x83: {  	v20 =	vld [tilespmem:s14+$0x0];
	v4 =	vsel vm0, $0xFFFFFFFF, v1;
	vm0 =	veq.s32 v10, v16;
	v10 =	vmax.f32 v5, v7  }
0x84: {  	s15 =	sor.u32 s31, s8;
	(erf) = vrcp.f32 v19;
	v16 =	vadd.s32 v21, v4;
	v19 =	vld [tilespmem:s23+$0x80];
	v4 =	vsel vm0, $0x45800800, v2  }
0x85: {  	vm0 =	vgt.f32 v14, v13;
	v21 =	vld [tilespmem:s15+$0x80];
	(erf) = vrcp.f32 v18;
	v13 =	vmax.f32 v10, v6  }
0x86: {  	v18 =	vld [tilespmem:s15+$0x0];
	v14 =	vsel vm0, $0x1, v1;
	vm0 =	vgt.f32 v8, v9;
	v8 =	vshll.u32 v16, $0x4  }
0x87: {  	v16 =	vld [tilespmem:s6+$0x0];
	v9 =	vsub.f32 v5, v13;
	v14 =	vsel vm0, $0x2, v14;
	v22 =	vor.u32 v3, v8  }
0x88: {  	v60 =	vld [tilespmem:s15+$0x100];
	v8 =	vsub.f32 v7, v13;
	v26 =	vsub.f32 v6, v13;
	vm0 =	veq.s32 v14, v20  }
0x89: {  	v11 =	vsel vm2, $0x2, v11;
	v20 =	vld [tilespmem:s23+$0x100];
	v9 =	vmul.f32 $1.442695020e+00, v9;
	v25 =	vsel vm0, $0x45800800, v2  }
0x8a: {  	v8 =	vmul.f32 $1.442695020e+00, v8;
	v26 =	vmul.f32 $1.442695020e+00, v26;
	v24 =	vmax.f32 v17, v19  }
0x8b: {  	vm0 =	vgt.f32 v19, v17;
	v27 =	vmax.f32 v18, v21;
	(erf) = vpow2.f32 v9  }
0x8c: {  	vm1 =	vgt.f32 v21, v18;
	v30 =	vmax.f32 v16, v23;
	(erf) = vpow2.f32 v8  }
0x8d: {  	v14 =	vsel vm0, $0x1, v1;
	v37 =	vmax.f32 v27, v60;
	v38 =	vmax.f32 v30, v29  }
0x8e: {  	v13 =	vpop (erf);
	v33 =	vmax.f32 v24, v20;
	(erf) = vpow2.f32 v26;
	v39 =	vsub.f32 v16, v38  }
0x8f: {  	v40 =	vsub.f32 v23, v38;
	v9 =	vpop (erf);
	v31 =	vmul.f32 $1.500000000e+01, v13;
	v17 =	vsub.f32 v17, v33  }
0x90: {  	v18 =	vsub.f32 v18, v37;
	v32 =	vmul.f32 $1.500000000e+01, v9;
	v39 =	vmul.f32 $1.442695020e+00, v39  }
0x91: {  	v19 =	vsub.f32 v19, v33;
	v8 =	vpop (erf);
	v40 =	vmul.f32 $1.442695020e+00, v40;
	v17 =	vmul.f32 $1.442695020e+00, v17  }
0x92: {  	v33 =	vsub.f32 v20, v33;
	v26 =	vmul.f32 $1.500000000e+01, v8;
	v34 =	vtrunc.f32 v31  }
0x93: {  	v21 =	vsub.f32 v21, v37;
	(erf) = vpow2.f32 v17;
	v17 =	vmul.f32 $1.442695020e+00, v18  }
0x94: {  	vm4 =	vgt.f32 v23, v16;
	v19 =	vmul.f32 $1.442695020e+00, v19;
	v33 =	vmul.f32 $1.442695020e+00, v33;
	v61 =	vpop (erf)  }
0x95: {  	v38 =	vsub.f32 v29, v38;
	v36 =	vtrunc.f32 v32;
	v18 =	vmul.f32 $1.442695020e+00, v21;
	v41 =	vpop (erf)  }
0x96: {  	v21 =	vsub.f32 v60, v37;
	(erf) = vpow2.f32 v19;
	v37 =	vadd.f32 v41, v61  }
0x97: {  	vm0 =	veq.f32 v31, v34;
	v62 =	vcvt.f32.s32 v34;
	(erf) = vpow2.f32 v17;
	v17 =	vpop (erf)  }
0x98: {  	v35 =	vtrunc.f32 v26;
	(erf) = vpow2.f32 v18;
	v17 =	vadd.f32 v37, v17  }
0x99: {  	vm3 =	veq.f32 v26, v35;
	v26 =	vcvt.f32.s32 v36;
	(erf) = vpow2.f32 v39  }
0x9a: {  	vm2 =	veq.f32 v32, v36;
	v63 =	vcvt.f32.s32 v35;
	(erf) = vrcp.f32 v17  }
0x9b: {  	[tilespmem:v22+s20+$0x0] =	vst.idx.add.f32.msk $0xffff, v25;
	v23 =	vsel vm0, $0xFFFFFFFF, v1;
	v19 =	vmul.f32 $1.442695020e+00, v21;
	(erf) = vpow2.f32 v40  }
0x9c: {  	s23 =	sor.u32 s18, s5;
	s5 =	sor.u32 s17, s5;
	[tilespmem:v22+s21+$0x0] =	vst.idx.add.f32.msk $0xffff, v15;
	vm0 =	vgt.f32 v20, v24;
	v21 =	vmul.f32 $1.442695020e+00, v38;
	(erf) = vpow2.f32 v33  }
0x9d: {  	v16 =	vld [tilespmem:s5+$0x0];
	v25 =	vsel vm2, $0xFFFFFFFF, v1;
	v20 =	vsel vm3, $0xFFFFFFFF, v1;
	(erf) = vpow2.f32 v19  }
0x9e: {  	s24 =	simm.s32 $0x40;
	vm2 =	vgt.f32 v29, v30;
	v20 =	vadd.s32 v63, v20;
	v17 =	vld [tilespmem:s23+$0x0];
	v22 =	vpop (erf);
	(erf) = vpow2.f32 v21  }
0x9f: {  	v15 =	vld [tilespmem:s24+$0x3200];
	v18 =	vsel vm1, $0x1, v1;
	vm1 =	vgt.f32 v60, v27;
	v24 =	vpop (erf);
	v19 =	vsel vm4, $0x1, v1  }
0xa0: {  	s17 =	simm.s32 $0x40;
	v21 =	vadd.s32 v62, v23;
	v23 =	vadd.f32 v24, v22;
	v24 =	vpop (erf);
	v22 =	vadd.s32 v26, v25  }
.LBB2_4:
0xa1: {  	s0 =	sadd.s32 $0x40, s0;
	v19 =	vsel vm2, $0x2, v19;
	v14 =	vsel vm0, $0x2, v14;
	v25 =	vsel vm1, $0x2, v18;
	v18 =	vpop (erf)  }
0xa2: {  	s16 =	sadd.s32 $0x100, s16;
	v21 =	vshll.u32 v21, $0x4;
	v22 =	vshll.u32 v22, $0x4;
	s5 =	sand.u32 $0x40, s0;
	v24 =	vadd.f32 v18, v24;
	v18 =	vpop (erf)  }
0xa3: {  	v20 =	vshll.u32 v20, $0x4;
	vm2 =	veq.s32 v11, v17;
	vm1 =	veq.s32 v12, v16;
	s6 =	sand.u32 $0x3E00, s16;
	s24 =	sor.u32 $0x10, s5;
	s14 =	sor.u32 $0x30, s5;
	v26 =	vpop (erf)  }
0xa4: {  	vm0 =	veq.s32 v19, v15;
	v21 =	vor.u32 v3, v21;
	s15 =	sor.u32 $0x20, s5;
	s23 =	sor.u32 s24, s6;
	s7 =	sor.u32 s14, s6;
	v28 =	vmul.f32 $1.500000000e+01, v26;
	v12 =	vpop (erf)  }
0xa5: {  	v19 =	vor.u32 v3, v22;
	s18 =	sor.u32 s5, s6;
	s5 =	sshra.s32 s16, $0x2;
	s6 =	sor.u32 s15, s6;
	v15 =	vld [tilespmem:s7+$0x0];
	v30 =	vadd.f32 v12, v18;
	v16 =	vpop (erf);
	v18 =	vor.u32 v3, v20  }
0xa6: {  	s8 =	sand.u32 $0xF80, s17;
	p0 =	slt.u32 s0, $0xC40;
	s17 =	smov.u32 s0;
	v17 =	vld [tilespmem:s7+$0x80];
	v16 =	vadd.f32 v23, v16;
	v20 =	vtrunc.f32 v28;
	v22 =	vpop (erf);
	v23 =	vsel vm2, $0x45800800, v2  }
0xa7: {  	s11 =	sadd.s32 $0x3200, s8;
	v27 =	vld [tilespmem:s7+$0x100];
	v22 =	vadd.f32 v24, v22;
	v24 =	vcvt.f32.s32 v20;
	vm2 =	veq.f32 v28, v20;
	v11 =	vpop (erf)  }
0xa8: {  	s8 =	sor.u32 s30, s11;
	s2 =	sor.u32 s2, s11;
	v12 =	vmovc v25;
	s7 =	sor.u32 s31, s11;
	v20 =	vld [tilespmem:s23+$0x0];
	v28 =	vadd.f32 v30, v11;
	v29 =	vsel vm2, $0xFFFFFFFF, v1;
	(erf) = vrcp.f32 v16;
	v11 =	vmovc v14  }
0xa9: {  	s30 =	smov.u32 s24;
	s31 =	smov.u32 s15;
	v14 =	vld [tilespmem:s2+$0x0];
	v16 =	vadd.s32 v24, v29;
	(erf) = vrcp.f32 v22;
	v22 =	vsel vm1, $0x45800800, v2;
	s2 =	smov.u32 s14  }
0xaa: {  	v25 =	vsel vm0, $0x45800800, v2;
	v24 =	vld [tilespmem:s23+$0x80];
	v16 =	vshll.u32 v16, $0x4;
	(erf) = vrcp.f32 v28  }
0xab: {  	vm0 =	vgt.f32 v7, v5;
	v5 =	vmovc v15;
	v28 =	vld [tilespmem:s6+$0x0];
	v29 =	vmax.f32 v15, v17;
	v16 =	vor.u32 v3, v16  }
0xac: {  	v31 =	vsel vm0, $0x1, v1;
	vm0 =	vgt.f32 v6, v10;
	v7 =	vmovc v17;
	v30 =	vld [tilespmem:s6+$0x80];
	v15 =	vmax.f32 v29, v27;
	v6 =	vmovc v27  }
0xad: {  	v31 =	vsel vm0, $0x2, v31;
	v10 =	vmov v29;
	v27 =	vld [tilespmem:s18+$0x0];
	v17 =	vsub.f32 v5, v15  }
0xae: {  	v32 =	vsub.f32 v7, v15;
	v29 =	vld [tilespmem:s18+$0x80];
	vm0 =	veq.s32 v31, v14  }
0xaf: {  	v31 =	vld [tilespmem:s23+$0x100];
	v33 =	vmax.f32 v20, v24;
	v14 =	vmul.f32 $1.442695020e+00, v17;
	v17 =	vsel vm0, $0x45800800, v2  }
0xb0: {  	v15 =	vsub.f32 v6, v15;
	vm0 =	vgt.f32 v24, v20;
	v36 =	vmul.f32 $1.442695020e+00, v32;
	[tilespmem:v16+s20+$0x0] =	vst.idx.add.f32.msk $0xffff, v17  }
0xb1: {  	v34 =	vmax.f32 v28, v30;
	vm1 =	vgt.f32 v30, v28;
	(erf) = vpow2.f32 v14;
	[tilespmem:v16+s21+$0x0] =	vst.idx.add.f32.msk $0xffff, v26;
	v26 =	vpop (erf)  }
0xb2: {  	v15 =	vmul.f32 $1.442695020e+00, v15;
	v14 =	vsel vm0, $0x1, v1;
	v35 =	vld [tilespmem:s6+$0x100];
	(erf) = vpow2.f32 v36;
	v32 =	vpop (erf)  }
0xb3: {  	v38 =	vmul.f32 $1.500000000e+01, v26;
	v36 =	vld [tilespmem:s18+$0x100];
	v37 =	vmax.f32 v27, v29;
	v39 =	vmul.f32 $1.500000000e+01, v32;
	v40 =	vpop (erf)  }
0xb4: {  	v41 =	vmax.f32 v33, v31;
	(erf) = vpow2.f32 v15;
	v42 =	vmul.f32 $1.500000000e+01, v40;
	v17 =	vld [tilespmem:s8+$0x0]  }
0xb5: {  	v43 =	vtrunc.f32 v38;
	v20 =	vsub.f32 v20, v41;
	v24 =	vsub.f32 v24, v41;
	v16 =	vld [tilespmem:s7+$0x0]  }
0xb6: {  	v41 =	vsub.f32 v31, v41;
	v45 =	vtrunc.f32 v39;
	v15 =	vld [tilespmem:s5+$0x3200];
	v44 =	vtrunc.f32 v42  }
0xb7: {  	v20 =	vmul.f32 $1.442695020e+00, v20;
	v24 =	vmul.f32 $1.442695020e+00, v24;
	v46 =	vmax.f32 v34, v35;
	[tilespmem:v21+s20+$0x0] =	vst.idx.add.f32.msk $0xffff, v23  }
0xb8: {  	v23 =	vmax.f32 v37, v36;
	v49 =	vsub.f32 v28, v46;
	v30 =	vsub.f32 v30, v46  }
0xb9: {  	v47 =	vsub.f32 v27, v23;
	v48 =	vsub.f32 v29, v23;
	(erf) = vpow2.f32 v20;
	[tilespmem:v21+s21+$0x0] =	vst.idx.add.f32.msk $0xffff, v13  }
0xba: {  	v21 =	vsub.f32 v35, v46;
	v49 =	vmul.f32 $1.442695020e+00, v49;
	v20 =	vmul.f32 $1.442695020e+00, v30;
	v28 =	vpop (erf);
	[tilespmem:v19+s20+$0x0] =	vst.idx.add.f32.msk $0xffff, v22  }
0xbb: {  	v23 =	vsub.f32 v36, v23;
	v22 =	vmul.f32 $1.442695020e+00, v47;
	v30 =	vmul.f32 $1.442695020e+00, v48;
	v46 =	vpop (erf);
	[tilespmem:v19+s21+$0x0] =	vst.idx.add.f32.msk $0xffff, v9  }
0xbc: {  	v19 =	vmul.f32 $1.442695020e+00, v41;
	v28 =	vadd.f32 v46, v28;
	(erf) = vpow2.f32 v24;
	[tilespmem:v18+s20+$0x0] =	vst.idx.add.f32.msk $0xffff, v4;
	v4 =	vmovc v25  }
0xbd: {  	vm0 =	veq.f32 v38, v43;
	v21 =	vmul.f32 $1.442695020e+00, v21;
	(erf) = vpow2.f32 v49;
	v13 =	vpop (erf);
	[tilespmem:v18+s21+$0x0] =	vst.idx.add.f32.msk $0xffff, v8  }
0xbe: {  	v23 =	vmul.f32 $1.442695020e+00, v23;
	v9 =	vmovc v32;
	v18 =	vadd.f32 v28, v13;
	(erf) = vpow2.f32 v20;
	v13 =	vmovc v26  }
0xbf: {  	vm2 =	veq.f32 v39, v45;
	v8 =	vmovc v40;
	v20 =	vcvt.f32.s32 v43;
	(erf) = vpow2.f32 v22  }
0xc0: {  	vm3 =	veq.f32 v42, v44;
	v22 =	vcvt.f32.s32 v45;
	(erf) = vrcp.f32 v18  }
0xc1: {  	vm4 =	vgt.f32 v29, v27;
	v25 =	vcvt.f32.s32 v44;
	(erf) = vpow2.f32 v30  }
.Ltmp5:
0xc2: {  	v27 =	vsel vm2, $0xFFFFFFFF, v1;
	v26 =	vsel vm0, $0xFFFFFFFF, v1;
	v24 =	vpop (erf);
	(erf) = vpow2.f32 v19;
	(pc) =	sbr.rel @p0 .LBB2_4-.Ltmp5, $4  }
0xc3: {  	vm0 =	vgt.f32 v31, v33;
	v28 =	vsel vm3, $0xFFFFFFFF, v1;
	(erf) = vpow2.f32 v21  }
0xc4: {  	v18 =	vsel vm1, $0x1, v1;
	vm1 =	vgt.f32 v35, v34;
	(erf) = vpow2.f32 v23  }
0xc5: {  	vm2 =	vgt.f32 v36, v37;
	v19 =	vsel vm4, $0x1, v1;
	v21 =	vadd.s32 v20, v26;
	v23 =	vpop (erf)  }
0xc6: {  	v22 =	vadd.s32 v22, v27;
	v20 =	vadd.s32 v25, v28;
	v23 =	vadd.f32 v23, v24;
	v24 =	vpop (erf)  }
0xc7: {  	v25 =	vpop (erf)  }
0xc8: {  	v26 =	vpop (erf)  }
0xc9: {  	v27 =	vpop (erf)  }
0xca: {  	v28 =	vpop (erf)  }
0xcb: {  	v29 =	vpop (erf)  }
0xcc: {  	v23 =	vadd.f32 v23, v29  }
0xcd: {  	v31 =	vadd.f32 v25, v24  }
0xce: {  	v33 =	vadd.f32 v28, v26;
	v34 =	vpop (erf);
	(erf) = vrcp.f32 v23  }
0xcf: {  	v32 =	vmul.f32 $1.500000000e+01, v27;
	v35 =	vpop (erf);
	v23 =	vadd.f32 v31, v34  }
0xd0: {  	v25 =	vadd.f32 v33, v35  }
0xd1: {  	s0 =	sand.u32 $0xF80, s17;
	v36 =	vtrunc.f32 v32;
	(erf) = vrcp.f32 v23  }
0xd2: {  	s0 =	sadd.s32 $0x3200, s0;
	vm3 =	veq.f32 v32, v36;
	v37 =	vcvt.f32.s32 v36;
	(erf) = vrcp.f32 v25  }
0xd3: {  	s2 =	sor.u32 s2, s0;
	v24 =	vsel vm3, $0xFFFFFFFF, v1  }
0xd4: {  	v38 =	vld [tilespmem:s2+$0x0];
	v23 =	vadd.s32 v37, v24  }
0xd5: {  	vm6 =	vgt.f32 v7, v5;
	vm7 =	vgt.f32 v6, v10;
	v23 =	vshll.u32 v23, $0x4  }
0xd6: {  	v21 =	vshll.u32 v21, $0x4;
	vm8 =	veq.s32 v11, v17;
	v5 =	vor.u32 v3, v23  }
0xd7: {  	v45 =	vshll.u32 v22, $0x4;
	v20 =	vshll.u32 v20, $0x4;
	v40 =	vsel vm6, $0x1, v1;
	v39 =	vpop (erf)  }
0xd8: {  	vm11 =	veq.s32 v12, v16;
	v10 =	vsel vm7, $0x2, v40;
	v41 =	vmul.f32 $1.500000000e+01, v39  }
0xd9: {  	v11 =	vsel vm8, $0x45800800, v2;
	v43 =	vor.u32 v3, v21;
	vm9 =	veq.s32 v10, v38  }
0xda: {  	v6 =	vor.u32 v3, v45;
	v44 =	vsel vm9, $0x45800800, v2;
	v46 =	vpop (erf);
	v42 =	vtrunc.f32 v41  }
0xdb: {  	[tilespmem:v5+s20+$0x0] =	vst.idx.add.f32.msk $0xffff, v44;
	v48 =	vmul.f32 $1.500000000e+01, v46;
	v49 =	vpop (erf);
	vm10 =	veq.f32 v41, v42;
	v10 =	vcvt.f32.s32 v42  }
0xdc: {  	v20 =	vor.u32 v3, v20;
	s30 =	sor.u32 s30, s0;
	[tilespmem:v5+s21+$0x0] =	vst.idx.add.f32.msk $0xffff, v27;
	v5 =	vmul.f32 $1.500000000e+01, v49;
	v47 =	vsel vm10, $0xFFFFFFFF, v1  }
0xdd: {  	v50 =	vsel vm11, $0x45800800, v2;
	s0 =	sor.u32 s31, s0;
	v51 =	vld [tilespmem:s30+$0x0];
	v52 =	vtrunc.f32 v48;
	v10 =	vadd.s32 v10, v47  }
0xde: {  	v56 =	vld [tilespmem:s0+$0x0];
	v53 =	vtrunc.f32 v5;
	vm12 =	veq.f32 v48, v52;
	v54 =	vcvt.f32.s32 v52  }
0xdf: {  	[tilespmem:v43+s20+$0x0] =	vst.idx.add.f32.msk $0xffff, v11;
	v55 =	vsel vm12, $0xFFFFFFFF, v1;
	vm13 =	veq.f32 v5, v53;
	v5 =	vshll.u32 v10, $0x4  }
0xe0: {  	[tilespmem:v6+s20+$0x0] =	vst.idx.add.f32.msk $0xffff, v50;
	v11 =	vcvt.f32.s32 v53;
	v12 =	vadd.s32 v54, v55;
	v5 =	vor.u32 v3, v5  }
0xe1: {  	[tilespmem:v20+s20+$0x0] =	vst.idx.add.f32.msk $0xffff, v4;
	v57 =	vsel vm13, $0xFFFFFFFF, v1;
	v12 =	vshll.u32 v12, $0x4  }
0xe2: {  	v14 =	vsel vm0, $0x2, v14;
	[tilespmem:v43+s21+$0x0] =	vst.idx.add.f32.msk $0xffff, v13;
	v58 =	vadd.s32 v11, v57;
	v59 =	vor.u32 v3, v12  }
0xe3: {  	[tilespmem:v6+s21+$0x0] =	vst.idx.add.f32.msk $0xffff, v9;
	vm0 =	veq.s32 v14, v51;
	v4 =	vshll.u32 v58, $0x4  }
0xe4: {  	v60 =	vsel vm1, $0x2, v18;
	[tilespmem:v20+s21+$0x0] =	vst.idx.add.f32.msk $0xffff, v8;
	v61 =	vsel vm0, $0x45800800, v2;
	v4 =	vor.u32 v3, v4  }
0xe5: {  	vm14 =	veq.s32 v60, v56;
	[tilespmem:v5+s20+$0x0] =	vst.idx.add.f32.msk $0xffff, v61  }
0xe6: {  	v62 =	vsel vm2, $0x2, v19;
	v63 =	vsel vm14, $0x45800800, v2;
	[tilespmem:v5+s21+$0x0] =	vst.idx.add.f32.msk $0xffff, v39  }
0xe7: {  	vm15 =	veq.s32 v62, v15;
	[tilespmem:v59+s20+$0x0] =	vst.idx.add.f32.msk $0xffff, v63  }
0xe8: {  	v5 =	vsel vm15, $0x45800800, v2;
	[tilespmem:v59+s21+$0x0] =	vst.idx.add.f32.msk $0xffff, v46  }
0xe9: {  	[tilespmem:v4+s20+$0x0] =	vst.idx.add.f32.msk $0xffff, v5  }
0xea: {  	[tilespmem:v4+s21+$0x0] =	vst.idx.add.f32.msk $0xffff, v49  }
.LBB2_6:
0xeb: {  	s0 =	sadd.s32 s10, s29  }
0xec: {  	p0 =	sgt.u32 s0, $0x270  }
0xed: {  	s2 =	smul.u32 @!p0 $0x640, s0;
	_ =	sdelay $0x1  }
0xee: {  	s5 =	simm.s32 @!p0 $0x0;
	s0 =	smul.u32 @!p0 $0x190, s0;
	s2 =	sadd.s32 @!p0 s1, s2  }
0xef: {  	[tilespmem:s5], [sflag:$0x1] =	stream.linear.gather @!p0 [hbm4b:s2+s5], $0x3200, $0x38;
	[tilespmem:$0x7F00] =	vst v63  }
0xf0: {  	s0 =	sadd.s32 @!p0 s3, s0;
	s2 =	simm.s32 @!p0 $0x3200  }
0xf1: {  	[tilespmem:s2], [sflag:$0x1] =	stream.linear.gather @!p0 [hbm4b:s0+s5], $0xC80, $0x38;
	[tilespmem:$0x7F00] =	vst v63  }
0xf2: {  	p0 =	sge.u32 s29, s13  }
.Ltmp6:
0xf3: {  	_ = 	snop;
	(pc) =	sbr.rel @p0 .LBB2_10-.Ltmp6, $1  }
0xf4: {  	_ =	sdelay $0x3  }
0xf5: {  	_ =	swait.ge [sflag:s22], $0x3200  }
0xf6: {  	[sflag:s22] =	ssyncset.done $0x0  }
0xf7: {  	s0 =	simm.s32 $0x0;
	s5 =	simm.s32 $0x0;
	[sflag:s22] =	ssyncadd.s32 $0xFFFFCE00  }
0xf8: {  	s2 =	sand.u32 $0x40, s5;
	s0 =	sand.u32 $0x3E00, s0;
	_ =	swait.ge [sflag:s22], $0xC80  }
0xf9: {  	s0 =	sadd.s32 $0x3E80, s0;
	s31 =	sor.u32 $0x30, s2;
	[sflag:s22] =	ssyncset.done $0x0  }
0xfa: {  	s6 =	sor.u32 s31, s0;
	[sflag:s22] =	ssyncadd.s32 $0xFFFFF380  }
0xfb: {  	v10 =	vld [tilespmem:s6+$0x0]  }
0xfc: {  	v14 =	vld [tilespmem:s6+$0x80]  }
0xfd: {  	v8 =	vld [tilespmem:s6+$0x100];
	_ =	sdelay $0x3  }
0xfe: {  	s18 =	sor.u32 $0x10, s2;
	v9 =	vmax.f32 v10, v14  }
0xff: {  	s16 =	sor.u32 s18, s0;
	v4 =	vmax.f32 v9, v8  }
0x100: {  	s17 =	sor.u32 $0x20, s2;
	v5 =	vld [tilespmem:s16+$0x0];
	v6 =	vsub.f32 v10, v4  }
0x101: {  	s7 =	sor.u32 s17, s0;
	v7 =	vld [tilespmem:s16+$0x80];
	v11 =	vsub.f32 v14, v4  }
0x102: {  	v12 =	vld [tilespmem:s7+$0x0];
	v6 =	vmul.f32 $1.442695020e+00, v6  }
0x103: {  	v15 =	vld [tilespmem:s16+$0x100];
	v4 =	vsub.f32 v8, v4;
	v11 =	vmul.f32 $1.442695020e+00, v11  }
0x104: {  	v13 =	vld [tilespmem:s7+$0x80];
	(erf) = vpow2.f32 v6  }
0x105: {  	v4 =	vmul.f32 $1.442695020e+00, v4;
	(erf) = vpow2.f32 v11;
	v11 =	vld [tilespmem:s7+$0x100]  }
0x106: {  	s0 =	sor.u32 s2, s0  }
0x107: {  	v16 =	vld [tilespmem:s0+$0x80];
	(erf) = vpow2.f32 v4;
	v4 =	vmax.f32 v5, v7  }
0x108: {  	v6 =	vld [tilespmem:s0+$0x0];
	v18 =	vmax.f32 v4, v15  }
0x109: {  	v17 =	vld [tilespmem:s0+$0x100];
	v19 =	vmax.f32 v12, v13;
	v20 =	vsub.f32 v5, v18  }
0x10a: {  	v22 =	vmax.f32 v19, v11  }
0x10b: {  	v20 =	vmul.f32 $1.442695020e+00, v20;
	v24 =	vsub.f32 v12, v22  }
0x10c: {  	v21 =	vsub.f32 v7, v18  }
0x10d: {  	v23 =	vmax.f32 v6, v16;
	(erf) = vpow2.f32 v20;
	v20 =	vmul.f32 $1.442695020e+00, v24  }
0x10e: {  	v21 =	vmul.f32 $1.442695020e+00, v21;
	v25 =	vmax.f32 v23, v17;
	v26 =	vsub.f32 v13, v22;
	v27 =	vpop (erf)  }
0x10f: {  	v28 =	vsub.f32 v6, v25;
	v24 =	vpop (erf)  }
0x110: {  	v26 =	vmul.f32 $1.442695020e+00, v26;
	(erf) = vpow2.f32 v21;
	v24 =	vadd.f32 v24, v27  }
0x111: {  	v21 =	vsub.f32 v16, v25;
	v27 =	vmul.f32 $1.442695020e+00, v28;
	(erf) = vpow2.f32 v20;
	v20 =	vpop (erf)  }
0x112: {  	v18 =	vsub.f32 v15, v18;
	(erf) = vpow2.f32 v26;
	v20 =	vadd.f32 v24, v20  }
0x113: {  	v22 =	vsub.f32 v11, v22;
	v21 =	vmul.f32 $1.442695020e+00, v21;
	(erf) = vpow2.f32 v27  }
0x114: {  	v18 =	vmul.f32 $1.442695020e+00, v18;
	v24 =	vsub.f32 v17, v25;
	(erf) = vrcp.f32 v20  }
0x115: {  	v20 =	vmul.f32 $1.442695020e+00, v22;
	(erf) = vpow2.f32 v21  }
0x116: {  	v21 =	vmul.f32 $1.442695020e+00, v24;
	(erf) = vpow2.f32 v18  }
0x117: {  	(erf) = vpow2.f32 v20  }
0x118: {  	v18 =	vpop (erf);
	(erf) = vpow2.f32 v21  }
0x119: {  	s2 =	simm.s32 $0x100;
	s0 =	simm.s32 $0x40;
	v20 =	vpop (erf)  }
0x11a: {  	s8 =	simm.s32 $0x0;
	s23 =	sand.u32 $0x3E00, s2;
	vm0 =	vgt.f32 v7, v5;
	s6 =	sand.u32 $0x40, s0;
	v21 =	vpop (erf)  }
0x11b: {  	s5 =	sand.u32 $0xF80, s5;
	vm1 =	vgt.f32 v13, v12;
	s7 =	sadd.s32 $0x3E80, s23;
	s16 =	sor.u32 $0x30, s6;
	v12 =	vsel vm0, $0x1, v1;
	vm0 =	vgt.f32 v16, v6;
	v5 =	vpop (erf)  }
0x11c: {  	s5 =	sadd.s32 $0x7080, s5;
	vm2 =	vgt.f32 v15, v4;
	s24 =	sor.u32 s16, s7;
	v15 =	vld [tilespmem:s8+$0x7080];
	v7 =	vsel vm0, $0x1, v1;
	vm0 =	vgt.f32 v17, v23;
	v6 =	vpop (erf)  }
0x11d: {  	s14 =	sor.u32 s31, s5;
	v4 =	vsel vm1, $0x1, v1;
	vm1 =	vgt.f32 v11, v19;
	v11 =	vsel vm0, $0x2, v7;
	v7 =	vld [tilespmem:s24+$0x80];
	v16 =	vpop (erf)  }
0x11e: {  	s30 =	sor.u32 $0x10, s6;
	s31 =	sor.u32 $0x20, s6;
	s6 =	sor.u32 s6, s7;
	v13 =	vadd.f32 v20, v18;
	v19 =	vadd.f32 v5, v21;
	v5 =	vld [tilespmem:s24+$0x0];
	v17 =	vmul.f32 $1.500000000e+01, v16;
	v18 =	vpop (erf)  }
0x11f: {  	v23 =	vld [tilespmem:s6+$0x80];
	v20 =	vpop (erf)  }
0x120: {  	s11 =	sor.u32 s30, s7;
	v18 =	vadd.f32 v18, v6;
	v6 =	vld [tilespmem:s24+$0x100];
	v13 =	vadd.f32 v13, v20;
	v20 =	vtrunc.f32 v17;
	v21 =	vpop (erf)  }
0x121: {  	v19 =	vadd.f32 v19, v21;
	v21 =	vcvt.f32.s32 v20;
	v22 =	vpop (erf);
	vm0 =	veq.f32 v17, v20;
	v17 =	vld [tilespmem:s11+$0x0]  }
0x122: {  	v20 =	vld [tilespmem:s14+$0x0];
	v18 =	vadd.f32 v18, v22;
	(erf) = vrcp.f32 v13;
	v13 =	vsel vm1, $0x2, v4  }
0x123: {  	v4 =	vsel vm0, $0xFFFFFFFF, v1;
	vm0 =	veq.s32 v11, v15;
	v11 =	vmax.f32 v5, v7;
	v22 =	vld [tilespmem:s6+$0x0]  }
0x124: {  	s15 =	sor.u32 s31, s7;
	(erf) = vrcp.f32 v19;
	v15 =	vadd.s32 v21, v4;
	v19 =	vld [tilespmem:s11+$0x80];
	v4 =	vsel vm0, $0x45800800, v2  }
0x125: {  	vm0 =	vgt.f32 v14, v10;
	v14 =	vld [tilespmem:s15+$0x80];
	(erf) = vrcp.f32 v18;
	v10 =	vmax.f32 v11, v6  }
0x126: {  	v18 =	vld [tilespmem:s15+$0x0];
	v21 =	vsel vm0, $0x1, v1;
	vm0 =	vgt.f32 v8, v9;
	v8 =	vshll.u32 v15, $0x4  }
0x127: {  	v59 =	vld [tilespmem:s15+$0x100];
	v9 =	vsub.f32 v5, v10;
	v15 =	vsel vm0, $0x2, v21;
	v21 =	vor.u32 v3, v8  }
0x128: {  	v8 =	vsub.f32 v7, v10;
	v10 =	vsub.f32 v6, v10;
	vm0 =	veq.s32 v15, v20;
	v20 =	vld [tilespmem:s11+$0x100]  }
0x129: {  	v12 =	vsel vm2, $0x2, v12;
	v9 =	vmul.f32 $1.442695020e+00, v9;
	v25 =	vsel vm0, $0x45800800, v2  }
0x12a: {  	v26 =	vmul.f32 $1.442695020e+00, v8;
	v29 =	vmul.f32 $1.442695020e+00, v10;
	v30 =	vmax.f32 v22, v23  }
0x12b: {  	v24 =	vmax.f32 v17, v19;
	v27 =	vmax.f32 v18, v14;
	(erf) = vpow2.f32 v9  }
0x12c: {  	vm0 =	vgt.f32 v19, v17;
	(erf) = vpow2.f32 v26;
	v37 =	vmax.f32 v27, v59  }
0x12d: {  	vm1 =	vgt.f32 v14, v18;
	v8 =	vpop (erf);
	v33 =	vmax.f32 v24, v20;
	v14 =	vsub.f32 v14, v37  }
0x12e: {  	(erf) = vpow2.f32 v29;
	v10 =	vpop (erf);
	v31 =	vmul.f32 $1.500000000e+01, v8;
	v17 =	vsub.f32 v17, v33  }
0x12f: {  	v26 =	vld [tilespmem:s6+$0x100];
	v19 =	vsub.f32 v19, v33;
	v32 =	vmul.f32 $1.500000000e+01, v10;
	v9 =	vpop (erf);
	v14 =	vmul.f32 $1.442695020e+00, v14  }
0x130: {  	v33 =	vsub.f32 v20, v33;
	v60 =	vmul.f32 $1.500000000e+01, v9;
	v34 =	vtrunc.f32 v31  }
0x131: {  	v18 =	vsub.f32 v18, v37;
	v17 =	vmul.f32 $1.442695020e+00, v17;
	v19 =	vmul.f32 $1.442695020e+00, v19  }
0x132: {  	vm4 =	vgt.f32 v23, v22;
	v33 =	vmul.f32 $1.442695020e+00, v33;
	v36 =	vtrunc.f32 v32  }
0x133: {  	v15 =	vsel vm0, $0x1, v1;
	(erf) = vpow2.f32 v17;
	v17 =	vmul.f32 $1.442695020e+00, v18  }
0x134: {  	v38 =	vmax.f32 v30, v26;
	vm0 =	veq.f32 v31, v34;
	v62 =	vcvt.f32.s32 v34;
	v61 =	vpop (erf)  }
0x135: {  	v35 =	vtrunc.f32 v60;
	v39 =	vsub.f32 v22, v38;
	v40 =	vsub.f32 v23, v38;
	v41 =	vpop (erf)  }
0x136: {  	v18 =	vsub.f32 v59, v37;
	(erf) = vpow2.f32 v19;
	v37 =	vadd.f32 v41, v61  }
0x137: {  	v38 =	vsub.f32 v26, v38;
	v39 =	vmul.f32 $1.442695020e+00, v39;
	(erf) = vpow2.f32 v17;
	v17 =	vpop (erf)  }
0x138: {  	v63 =	vcvt.f32.s32 v36;
	(erf) = vpow2.f32 v14;
	v17 =	vadd.f32 v37, v17  }
0x139: {  	vm2 =	veq.f32 v32, v36;
	v40 =	vmul.f32 $1.442695020e+00, v40;
	(erf) = vpow2.f32 v39  }
0x13a: {  	v23 =	vsel vm0, $0xFFFFFFFF, v1;
	v22 =	vcvt.f32.s32 v35;
	(erf) = vrcp.f32 v17  }
0x13b: {  	[tilespmem:v21+s20+$0x0] =	vst.idx.add.f32.msk $0xffff, v25;
	vm0 =	vgt.f32 v20, v24;
	v18 =	vmul.f32 $1.442695020e+00, v18;
	(erf) = vpow2.f32 v40  }
0x13c: {  	s24 =	sor.u32 s18, s5;
	s5 =	sor.u32 s17, s5;
	[tilespmem:v21+s21+$0x0] =	vst.idx.add.f32.msk $0xffff, v16;
	vm3 =	veq.f32 v60, v35;
	v19 =	vmul.f32 $1.442695020e+00, v38;
	(erf) = vpow2.f32 v33  }
0x13d: {  	v16 =	vld [tilespmem:s5+$0x0];
	v32 =	vsel vm2, $0xFFFFFFFF, v1;
	vm2 =	vgt.f32 v26, v30;
	(erf) = vpow2.f32 v18  }
0x13e: {  	s23 =	simm.s32 $0x40;
	v21 =	vadd.s32 v62, v23;
	v20 =	vsel vm3, $0xFFFFFFFF, v1;
	v17 =	vld [tilespmem:s24+$0x0];
	v24 =	vpop (erf);
	(erf) = vpow2.f32 v19  }
0x13f: {  	v20 =	vadd.s32 v22, v20;
	v22 =	vadd.s32 v63, v32;
	v14 =	vld [tilespmem:s23+$0x7080];
	v25 =	vpop (erf);
	v18 =	vsel vm1, $0x1, v1  }
0x140: {  	s17 =	simm.s32 $0x40;
	vm1 =	vgt.f32 v59, v27;
	v23 =	vadd.f32 v25, v24;
	v24 =	vpop (erf);
	v19 =	vsel vm4, $0x1, v1  }
.LBB2_8:
0x141: {  	s0 =	sadd.s32 $0x40, s0;
	v19 =	vsel vm2, $0x2, v19;
	v15 =	vsel vm0, $0x2, v15;
	v25 =	vsel vm1, $0x2, v18;
	s2 =	sadd.s32 $0x100, s2;
	v18 =	vpop (erf)  }
0x142: {  	v21 =	vshll.u32 v21, $0x4;
	v22 =	vshll.u32 v22, $0x4;
	s5 =	sand.u32 $0x40, s0;
	s6 =	sand.u32 $0x3E00, s2;
	s7 =	sshra.s32 s2, $0x2;
	v24 =	vadd.f32 v18, v24;
	v18 =	vpop (erf)  }
0x143: {  	v20 =	vshll.u32 v20, $0x4;
	vm2 =	veq.s32 v12, v17;
	vm1 =	veq.s32 v13, v16;
	s6 =	sadd.s32 $0x3E80, s6;
	v26 =	vld [tilespmem:s7+$0x7080];
	s8 =	sor.u32 $0x10, s5;
	s11 =	sor.u32 $0x30, s5;
	v27 =	vpop (erf)  }
0x144: {  	vm0 =	veq.s32 v19, v14;
	v19 =	vor.u32 v3, v21;
	s14 =	sor.u32 $0x20, s5;
	s7 =	sor.u32 s8, s6;
	s15 =	sor.u32 s11, s6;
	v29 =	vmul.f32 $1.500000000e+01, v27;
	v13 =	vpop (erf)  }
0x145: {  	p0 =	slt.u32 s0, $0xC40;
	s5 =	sor.u32 s5, s6;
	s18 =	sor.u32 s14, s6;
	v16 =	vld [tilespmem:s15+$0x0];
	v31 =	vadd.f32 v13, v18;
	v14 =	vpop (erf);
	v18 =	vor.u32 v3, v20;
	v20 =	vor.u32 v3, v22  }
0x146: {  	s6 =	sand.u32 $0xF80, s17;
	s17 =	smov.u32 s0;
	v17 =	vld [tilespmem:s15+$0x80];
	v32 =	vadd.f32 v23, v14;
	v21 =	vtrunc.f32 v29;
	v22 =	vpop (erf);
	v23 =	vsel vm2, $0x45800800, v2  }
0x147: {  	v28 =	vld [tilespmem:s15+$0x100];
	s15 =	sadd.s32 $0x7080, s6;
	v22 =	vadd.f32 v24, v22;
	v24 =	vcvt.f32.s32 v21;
	vm2 =	veq.f32 v29, v21;
	v12 =	vpop (erf)  }
0x148: {  	v13 =	vmovc v25;
	v21 =	vld [tilespmem:s7+$0x0];
	v29 =	vadd.f32 v31, v12;
	s23 =	sor.u32 s30, s15;
	s6 =	sor.u32 s31, s15;
	s15 =	sor.u32 s16, s15;
	v30 =	vsel vm2, $0xFFFFFFFF, v1;
	(erf) = vrcp.f32 v32;
	v12 =	vmovc v15  }
0x149: {  	v14 =	vmovc v26;
	s30 =	smov.u32 s8;
	s16 =	smov.u32 s11;
	s31 =	smov.u32 s14;
	v15 =	vld [tilespmem:s15+$0x0];
	v24 =	vadd.s32 v24, v30;
	(erf) = vrcp.f32 v22;
	v22 =	vsel vm1, $0x45800800, v2  }
0x14a: {  	v26 =	vsel vm0, $0x45800800, v2;
	v25 =	vld [tilespmem:s7+$0x80];
	v24 =	vshll.u32 v24, $0x4;
	(erf) = vrcp.f32 v29  }
0x14b: {  	vm0 =	vgt.f32 v7, v5;
	v5 =	vmovc v16;
	v29 =	vld [tilespmem:s18+$0x0];
	v30 =	vmax.f32 v16, v17;
	v24 =	vor.u32 v3, v24  }
0x14c: {  	v32 =	vsel vm0, $0x1, v1;
	vm0 =	vgt.f32 v6, v11;
	v7 =	vmovc v17;
	v31 =	vld [tilespmem:s18+$0x80];
	v16 =	vmax.f32 v30, v28;
	v6 =	vmovc v28  }
0x14d: {  	v32 =	vsel vm0, $0x2, v32;
	v11 =	vmov v30;
	v28 =	vld [tilespmem:s5+$0x0];
	v17 =	vsub.f32 v5, v16  }
0x14e: {  	v33 =	vsub.f32 v7, v16;
	v30 =	vld [tilespmem:s5+$0x80];
	vm0 =	veq.s32 v32, v15  }
0x14f: {  	v32 =	vld [tilespmem:s7+$0x100];
	v34 =	vmax.f32 v21, v25;
	v15 =	vmul.f32 $1.442695020e+00, v17;
	v17 =	vsel vm0, $0x45800800, v2  }
0x150: {  	v16 =	vsub.f32 v6, v16;
	vm0 =	vgt.f32 v25, v21;
	v36 =	vmul.f32 $1.442695020e+00, v33;
	[tilespmem:v24+s20+$0x0] =	vst.idx.add.f32.msk $0xffff, v17  }
0x151: {  	v35 =	vmax.f32 v29, v31;
	vm1 =	vgt.f32 v31, v29;
	(erf) = vpow2.f32 v15;
	[tilespmem:v24+s21+$0x0] =	vst.idx.add.f32.msk $0xffff, v27;
	v24 =	vpop (erf)  }
0x152: {  	v16 =	vmul.f32 $1.442695020e+00, v16;
	v15 =	vsel vm0, $0x1, v1;
	v27 =	vld [tilespmem:s18+$0x100];
	(erf) = vpow2.f32 v36;
	v33 =	vpop (erf)  }
0x153: {  	v38 =	vmul.f32 $1.500000000e+01, v24;
	v36 =	vld [tilespmem:s5+$0x100];
	v37 =	vmax.f32 v28, v30;
	v39 =	vmul.f32 $1.500000000e+01, v33;
	v40 =	vpop (erf)  }
0x154: {  	v41 =	vmax.f32 v34, v32;
	(erf) = vpow2.f32 v16;
	v42 =	vmul.f32 $1.500000000e+01, v40;
	v17 =	vld [tilespmem:s23+$0x0]  }
0x155: {  	v43 =	vtrunc.f32 v38;
	v21 =	vsub.f32 v21, v41;
	v25 =	vsub.f32 v25, v41;
	v16 =	vld [tilespmem:s6+$0x0]  }
0x156: {  	v41 =	vsub.f32 v32, v41;
	v45 =	vtrunc.f32 v39;
	v44 =	vtrunc.f32 v42;
	[tilespmem:v19+s20+$0x0] =	vst.idx.add.f32.msk $0xffff, v23  }
0x157: {  	v21 =	vmul.f32 $1.442695020e+00, v21;
	v23 =	vmul.f32 $1.442695020e+00, v25;
	v25 =	vmax.f32 v35, v27;
	[tilespmem:v19+s21+$0x0] =	vst.idx.add.f32.msk $0xffff, v8;
	v8 =	vmovc v24  }
0x158: {  	v19 =	vmax.f32 v37, v36;
	v24 =	vsub.f32 v29, v25;
	v29 =	vsub.f32 v31, v25  }
0x159: {  	v31 =	vsub.f32 v28, v19;
	v46 =	vsub.f32 v30, v19;
	(erf) = vpow2.f32 v21;
	[tilespmem:v20+s20+$0x0] =	vst.idx.add.f32.msk $0xffff, v22  }
0x15a: {  	v21 =	vmul.f32 $1.442695020e+00, v24;
	v22 =	vmul.f32 $1.442695020e+00, v29;
	v24 =	vsub.f32 v27, v25;
	v25 =	vpop (erf);
	[tilespmem:v20+s21+$0x0] =	vst.idx.add.f32.msk $0xffff, v10  }
0x15b: {  	v20 =	vmul.f32 $1.442695020e+00, v31;
	v29 =	vmul.f32 $1.442695020e+00, v46;
	v46 =	vsub.f32 v36, v19;
	v19 =	vpop (erf);
	[tilespmem:v18+s20+$0x0] =	vst.idx.add.f32.msk $0xffff, v4  }
0x15c: {  	v31 =	vmul.f32 $1.442695020e+00, v41;
	v4 =	vmovc v26;
	v19 =	vadd.f32 v19, v25;
	(erf) = vpow2.f32 v23;
	[tilespmem:v18+s21+$0x0] =	vst.idx.add.f32.msk $0xffff, v9  }
0x15d: {  	vm0 =	veq.f32 v38, v43;
	v18 =	vmul.f32 $1.442695020e+00, v24;
	(erf) = vpow2.f32 v21;
	v9 =	vpop (erf)  }
0x15e: {  	v10 =	vmovc v33;
	v21 =	vmul.f32 $1.442695020e+00, v46;
	v19 =	vadd.f32 v19, v9;
	(erf) = vpow2.f32 v22;
	v9 =	vmovc v40  }
0x15f: {  	vm2 =	veq.f32 v39, v45;
	(erf) = vpow2.f32 v20;
	v20 =	vcvt.f32.s32 v43  }
0x160: {  	vm3 =	veq.f32 v42, v44;
	v22 =	vcvt.f32.s32 v45;
	(erf) = vrcp.f32 v19  }
0x161: {  	vm4 =	vgt.f32 v30, v28;
	v25 =	vcvt.f32.s32 v44;
	(erf) = vpow2.f32 v29  }
.Ltmp7:
0x162: {  	v26 =	vsel vm2, $0xFFFFFFFF, v1;
	v24 =	vsel vm0, $0xFFFFFFFF, v1;
	v23 =	vpop (erf);
	(erf) = vpow2.f32 v31;
	(pc) =	sbr.rel @p0 .LBB2_8-.Ltmp7, $4  }
0x163: {  	v28 =	vsel vm3, $0xFFFFFFFF, v1;
	vm0 =	vgt.f32 v32, v34;
	(erf) = vpow2.f32 v18  }
0x164: {  	v18 =	vsel vm1, $0x1, v1;
	vm1 =	vgt.f32 v27, v35;
	(erf) = vpow2.f32 v21  }
0x165: {  	vm2 =	vgt.f32 v36, v37;
	v19 =	vsel vm4, $0x1, v1;
	v21 =	vadd.s32 v20, v24;
	v27 =	vpop (erf)  }
0x166: {  	v22 =	vadd.s32 v22, v26;
	v20 =	vadd.s32 v25, v28;
	v23 =	vadd.f32 v27, v23;
	v24 =	vpop (erf)  }
0x167: {  	v25 =	vpop (erf)  }
0x168: {  	v26 =	vpop (erf)  }
0x169: {  	v27 =	vpop (erf)  }
0x16a: {  	v28 =	vpop (erf)  }
0x16b: {  	v29 =	vpop (erf)  }
0x16c: {  	v23 =	vadd.f32 v23, v29  }
0x16d: {  	v32 =	vadd.f32 v25, v24  }
0x16e: {  	v34 =	vadd.f32 v28, v26;
	v35 =	vpop (erf);
	(erf) = vrcp.f32 v23  }
0x16f: {  	v33 =	vmul.f32 $1.500000000e+01, v27;
	v36 =	vpop (erf);
	v23 =	vadd.f32 v32, v35  }
0x170: {  	v25 =	vadd.f32 v34, v36  }
0x171: {  	s0 =	sand.u32 $0xF80, s17;
	v37 =	vtrunc.f32 v33;
	(erf) = vrcp.f32 v23  }
0x172: {  	s0 =	sadd.s32 $0x7080, s0;
	vm3 =	veq.f32 v33, v37;
	v38 =	vcvt.f32.s32 v37;
	(erf) = vrcp.f32 v25  }
0x173: {  	s2 =	sor.u32 s16, s0;
	v24 =	vsel vm3, $0xFFFFFFFF, v1  }
0x174: {  	v39 =	vld [tilespmem:s2+$0x0];
	v23 =	vadd.s32 v38, v24  }
0x175: {  	vm6 =	vgt.f32 v7, v5;
	vm7 =	vgt.f32 v6, v11;
	v23 =	vshll.u32 v23, $0x4  }
0x176: {  	v21 =	vshll.u32 v21, $0x4;
	vm8 =	veq.s32 v12, v17;
	v5 =	vor.u32 v3, v23  }
0x177: {  	v46 =	vshll.u32 v22, $0x4;
	v20 =	vshll.u32 v20, $0x4;
	v41 =	vsel vm6, $0x1, v1;
	v40 =	vpop (erf)  }
0x178: {  	vm11 =	veq.s32 v13, v16;
	v11 =	vsel vm7, $0x2, v41;
	v42 =	vmul.f32 $1.500000000e+01, v40  }
0x179: {  	v12 =	vsel vm8, $0x45800800, v2;
	v44 =	vor.u32 v3, v21;
	vm9 =	veq.s32 v11, v39  }
0x17a: {  	v20 =	vor.u32 v3, v20;
	v45 =	vsel vm9, $0x45800800, v2;
	v47 =	vpop (erf);
	v43 =	vtrunc.f32 v42  }
0x17b: {  	[tilespmem:v5+s20+$0x0] =	vst.idx.add.f32.msk $0xffff, v45;
	v49 =	vmul.f32 $1.500000000e+01, v47;
	v50 =	vpop (erf);
	vm10 =	veq.f32 v42, v43;
	v11 =	vcvt.f32.s32 v43  }
0x17c: {  	v6 =	vor.u32 v3, v46;
	s30 =	sor.u32 s30, s0;
	[tilespmem:v5+s21+$0x0] =	vst.idx.add.f32.msk $0xffff, v27;
	v5 =	vmul.f32 $1.500000000e+01, v50;
	v48 =	vsel vm10, $0xFFFFFFFF, v1  }
0x17d: {  	v51 =	vsel vm11, $0x45800800, v2;
	s0 =	sor.u32 s31, s0;
	v52 =	vld [tilespmem:s30+$0x0];
	v53 =	vtrunc.f32 v49;
	v11 =	vadd.s32 v11, v48  }
0x17e: {  	v57 =	vld [tilespmem:s0+$0x0];
	v54 =	vtrunc.f32 v5;
	vm12 =	veq.f32 v49, v53;
	v55 =	vcvt.f32.s32 v53  }
0x17f: {  	[tilespmem:v44+s20+$0x0] =	vst.idx.add.f32.msk $0xffff, v12;
	v56 =	vsel vm12, $0xFFFFFFFF, v1;
	vm13 =	veq.f32 v5, v54;
	v5 =	vshll.u32 v11, $0x4  }
0x180: {  	[tilespmem:v44+s21+$0x0] =	vst.idx.add.f32.msk $0xffff, v8;
	v12 =	vcvt.f32.s32 v54;
	v8 =	vadd.s32 v55, v56;
	v5 =	vor.u32 v3, v5  }
0x181: {  	[tilespmem:v6+s20+$0x0] =	vst.idx.add.f32.msk $0xffff, v51;
	v58 =	vsel vm13, $0xFFFFFFFF, v1;
	v8 =	vshll.u32 v8, $0x4  }
0x182: {  	v15 =	vsel vm0, $0x2, v15;
	[tilespmem:v20+s20+$0x0] =	vst.idx.add.f32.msk $0xffff, v4;
	v59 =	vadd.s32 v12, v58;
	v8 =	vor.u32 v3, v8  }
0x183: {  	[tilespmem:v6+s21+$0x0] =	vst.idx.add.f32.msk $0xffff, v10;
	vm0 =	veq.s32 v15, v52;
	v4 =	vshll.u32 v59, $0x4  }
0x184: {  	v60 =	vsel vm1, $0x2, v18;
	[tilespmem:v20+s21+$0x0] =	vst.idx.add.f32.msk $0xffff, v9;
	v61 =	vsel vm0, $0x45800800, v2;
	v4 =	vor.u32 v3, v4  }
0x185: {  	vm14 =	veq.s32 v60, v57;
	[tilespmem:v5+s20+$0x0] =	vst.idx.add.f32.msk $0xffff, v61  }
.Ltmp8:
0x186: {  	v62 =	vsel vm2, $0x2, v19;
	v63 =	vsel vm14, $0x45800800, v2;
	[tilespmem:v5+s21+$0x0] =	vst.idx.add.f32.msk $0xffff, v40;
	(pc) =	sbr.rel .LBB2_10-.Ltmp8, $4  }
0x187: {  	vm15 =	veq.s32 v62, v14;
	[tilespmem:v8+s20+$0x0] =	vst.idx.add.f32.msk $0xffff, v63  }
0x188: {  	v5 =	vsel vm15, $0x45800800, v2;
	[tilespmem:v8+s21+$0x0] =	vst.idx.add.f32.msk $0xffff, v47  }
0x189: {  	[tilespmem:v4+s20+$0x0] =	vst.idx.add.f32.msk $0xffff, v5  }
0x18a: {  	[tilespmem:v4+s21+$0x0] =	vst.idx.add.f32.msk $0xffff, v50  }
.LBB2_12:
0x18b: {  	_ =	sfence.sel $0x180000  }
0x18c: {  	[bflag:$0x0] =	sbarrier.arrive $0xFFFF  }
0x18d: {  	_ =	strace $0x90000047  }
0x18e: {  	s0 =	stileid.u32;
	[bflag:$0x2] =	sbarrier.arrive $0xFFFF  }
0x18f: {  	p0 =	sne.s32 s0, $0x0;
	s0 =	rddreg [dreg:$0x3]  }
0x190: {  	s0 =	sadd.s32 @!p0 $0x100000, s0  }
0x191: {  	[sflag:s0] =	ssyncadd.tile.s32 @!p0 $0x1;
	_ =	shalt  }
.Lfunc_end2:
_tile_overlayer_lowered:
.L_overlay_start_2:
0x192: {  	(tag) =	ssettag $0x2  }
0x193: {  	s0 =	rddreg [dreg:$0x0];
	s2 =	stileid.u32  }
0x194: {  	s1 =	rddreg [dreg:$0x1];
	p0 =	sne.s32 s2, $0x0  }
0x195: {  	s3 =	rddreg [dreg:$0x2];
	[bflag:$0x3] =	sbarrier.arrive $0xFFFF;
	s2 =	simm.s32 @!p0 $0x1C03  }
0x196: {  	[timem:s3], [sflag:s2] =	dma.local @!p0 [hbm:s0], s1  }
0x197: {  	s0 =	simm.s32 @!p0 $0x3  }
0x198: {  	_ =	swait.ge @!p0 [sflag:s0], s1  }
0x199: {  	s1 =	ssub.s32 @!p0 $0x0, s1;
	[sflag:s0] =	ssyncset.done @!p0 $0x0  }
0x19a: {  	[sflag:s0] =	ssyncadd.s32 @!p0 s1  }
0x19b: {  	[bflag:$0x3] =	sbarrier.arrive $0xFFFF  }
0x19c: {  	_ =	shalt  }

</sc_bundles>
